<compile_context>
chip_gen: v7x
topology: tpu7x:2x2x1
jax: 0.10.2.dev20260603
libtpu: 0.0.44.dev20260713+nightly
codegen_flags: <defaults>
</compile_context>

<pallas_src>
import functools
import math

import jax
import jax.numpy as jnp
from jax import lax
from jax.experimental import pallas as pl
from jax.experimental.pallas import tpu as pltpu
from jax.experimental.pallas import tpu_sc as plsc

N = 262144
A = 16
K = N // 2
SEL_COLS = 2048

NW = 32
TPW = N // NW
CR = 2048
NCH = TPW // CR
NG = CR // 16

_LOGC = -0.5 * A * math.log(2.0 * math.pi)


def _sortable_i32(x_f32):
    b = lax.bitcast_convert_type(x_f32, jnp.int32)
    return b ^ ((b >> 31) & jnp.int32(0x7FFFFFFF))


def _select_body(temp_ref, adv_ref, out_i_ref, out_f_ref):
    a = adv_ref[...]
    s = _sortable_i32(a)

    def vbody(t, cand):
        trial = cand + (jnp.int32(1) << (31 - t))
        c = jnp.sum((s >= trial).astype(jnp.int32))
        return lax.select(c >= K, trial, cand)

    theta = lax.fori_loop(0, 32, vbody, jnp.int32(-2147483648))

    c_gt = jnp.sum((s > theta).astype(jnp.int32))
    t_need = K - c_gt

    eq = (s == theta)
    idx = (lax.broadcasted_iota(jnp.int32, (N // SEL_COLS, SEL_COLS), 0)
           * SEL_COLS
           + lax.broadcasted_iota(jnp.int32, (N // SEL_COLS, SEL_COLS), 1))

    def ibody(t, m):
        trial = m | (jnp.int32(1) << (17 - t))
        c = jnp.sum((eq & (idx < trial)).astype(jnp.int32))
        return lax.select(c < t_need, trial, m)

    mbound = lax.fori_loop(0, 18, ibody, jnp.int32(0))

    out_i_ref[0] = theta
    out_i_ref[1] = mbound
    for t in range(2, 16):
        out_i_ref[t] = jnp.int32(0)
    out_f_ref[0] = jnp.max(a)
    out_f_ref[1] = temp_ref[0] + jnp.float32(0.001)
    for t in range(2, 16):
        out_f_ref[t] = jnp.float32(0.0)


def _sc_body(m_hbm, s_hbm, a_hbm, advg_hbm, pi_hbm, pf_hbm, out_hbm,
             mbuf, sbuf, abuf, advbuf, pibuf, pfbuf, obuf):
    nc = 2
    wid = lax.axis_index("s") * nc + lax.axis_index("c")
    base = wid * TPW

    pltpu.sync_copy(pi_hbm, pibuf)
    pltpu.sync_copy(pf_hbm, pfbuf)
    pivec = pibuf[...]
    pfvec = pfbuf[...]
    theta = pivec[0]
    mbound = pivec[1]
    mx = pfvec[0]
    invtpv = jnp.full((16,), 1.0, jnp.float32) / pfvec
    invtp = invtpv[1]

    half = jnp.float32(-0.5)
    c1 = jnp.float32(2.0)
    c3 = jnp.float32(2.0 / 3.0)
    c5 = jnp.float32(0.4)
    c7 = jnp.float32(2.0 / 7.0)

    def chunk_body(c, carry):
        nu_v = carry[:4]
        d_v = carry[4]
        cb = base + c * CR
        rbt = pl.multiple_of(cb * A // 128, CR * A // 128)
        cba = pl.multiple_of(cb, CR)
        pltpu.sync_copy(m_hbm.at[pl.ds(rbt, CR * A // 128), :], mbuf)
        pltpu.sync_copy(s_hbm.at[pl.ds(rbt, CR * A // 128), :], sbuf)
        pltpu.sync_copy(a_hbm.at[pl.ds(rbt, CR * A // 128), :], abuf)
        pltpu.sync_copy(advg_hbm.at[pl.ds(cba, CR)], advbuf)

        def group_body(g, carry2):
            nu0, nu1, nu2, nu3, d_v2 = carry2
            adv_v = advbuf[pl.ds(g * 16, 16)]
            sv = _sortable_i32(adv_v)
            idx_v = cb + g * 16 + lax.iota(jnp.int32, 16)
            sel = (sv > theta) | ((sv == theta) & (idx_v <= mbound))
            w_v = jnp.where(sel, jnp.exp((adv_v - mx) * invtp),
                            jnp.float32(0.0))
            d_v2 = d_v2 + w_v
            acc = [nu0, nu1, nu2, nu3]
            one = jnp.float32(1.0)
            for j in range(16):
                row = 2 * g + j // 8
                off = (j % 8) * A
                mv = mbuf[row, pl.ds(off, A)]
                stdv = sbuf[row, pl.ds(off, A)]
                av = abuf[row, pl.ds(off, A)]
                q = jnp.full((16,), 1.0, jnp.float32) / (stdv + stdv * stdv)
                rs = q + q * stdv
                t = (av - mv) * rs
                wl = (one - stdv) * (q * stdv)
                wl2 = wl * wl
                logs = -(wl * (c1 + wl2 * (c3 + wl2 * (c5 + wl2 * c7))))
                term = half * (t * t) - logs
                acc[j % 4] = acc[j % 4] + w_v[j] * term
            return (acc[0], acc[1], acc[2], acc[3], d_v2)

        return plsc.parallel_loop(
            0, NG, unroll=2,
            carry=(nu_v[0], nu_v[1], nu_v[2], nu_v[3], d_v))(group_body)

    zero = jnp.zeros((16,), jnp.float32)
    fin = lax.fori_loop(0, NCH, chunk_body,
                        (zero, zero, zero, zero, zero))

    obuf[0] = fin[4]
    obuf[1] = ((fin[0] + fin[1]) + (fin[2] + fin[3]))
    pltpu.sync_copy(obuf, out_hbm.at[wid])


@jax.jit
def kernel(action_mean, action_std, actions, temperature, advantages):
    advS = advantages.reshape(N // SEL_COLS, SEL_COLS)
    mean_f = action_mean.reshape(N * A // 128, 128)
    std_f = action_std.reshape(N * A // 128, 128)
    act_f = actions.reshape(N * A // 128, 128)

    sel_i, sel_f = pl.pallas_call(
        _select_body,
        out_shape=[jax.ShapeDtypeStruct((16,), jnp.int32),
                   jax.ShapeDtypeStruct((16,), jnp.float32)],
        in_specs=[pl.BlockSpec(memory_space=pltpu.SMEM),
                  pl.BlockSpec(memory_space=pltpu.VMEM)],
        out_specs=[pl.BlockSpec(memory_space=pltpu.SMEM),
                   pl.BlockSpec(memory_space=pltpu.SMEM)],
    )(temperature, advS)

    mesh = plsc.VectorSubcoreMesh(core_axis_name="c", subcore_axis_name="s")
    sc = functools.partial(
        pl.kernel,
        mesh=mesh,
        out_type=jax.ShapeDtypeStruct((NW, 2, 16), jnp.float32),
        scratch_types=[
            pltpu.VMEM((CR * A // 128, 128), jnp.float32),
            pltpu.VMEM((CR * A // 128, 128), jnp.float32),
            pltpu.VMEM((CR * A // 128, 128), jnp.float32),
            pltpu.VMEM((CR,), jnp.float32),
            pltpu.VMEM((16,), jnp.int32),
            pltpu.VMEM((16,), jnp.float32),
            pltpu.VMEM((2, 16), jnp.float32),
        ],
    )(_sc_body)
    parts = sc(mean_f, std_f, act_f, advantages, sel_i, sel_f)

    d_tot = jnp.sum(parts[:, 0, :])
    nu_tot = jnp.sum(parts[:, 1, :])
    return -(nu_tot / d_tot + jnp.float32(_LOGC))

# --- scband reference (transcript-rebuilt; emitter-appended) ---
"""Pipeline reference for scband-phi-loss-44014824849680 (READ-ONLY COPY).

The authoritative reference and input builder live on the scoring server;
editing this copy changes nothing except your own understanding.
"""

import jax, jax.numpy as jnp
import numpy as np
import math


def _gaussian_logprob(mean, std, actions):
    # Diagonal Gaussian log-probability, summed over action dim
    var = std * std
    lp = -0.5 * ((actions - mean) ** 2) / var - jnp.log(std) - 0.5 * math.log(2.0 * math.pi)
    return jnp.sum(lp, axis=-1)


def setup_inputs(seed: int = 0) -> dict:
    key = jax.random.key(seed)
    N, A = 262144, 16
    k1, k2, k3, k4, k5 = jax.random.split(key, 5)
    return {
        "action_mean": jax.random.normal(k1, (N, A), dtype=jnp.float32),
        "action_std": jax.random.uniform(k2, (N, A), dtype=jnp.float32, minval=0.5, maxval=1.5),
        "actions": jax.random.normal(k3, (N, A), dtype=jnp.float32),
        "temperature": jax.random.uniform(k4, (1,), dtype=jnp.float32, minval=0.5, maxval=1.5),
        "advantages": jax.random.normal(k5, (N,), dtype=jnp.float32),
    }


def reference(action_mean, action_std, actions, temperature, advantages):
    # temperature = temperature.detach()
    temperature = jax.lax.stop_gradient(temperature)
    n = advantages.shape[0]
    k = math.ceil(n / 2)
    # top_adv, top_idx = torch.topk(advantages, ceil(n/2), 0)
    top_adv, top_idx = jax.lax.top_k(advantages, k)
    # logprobs = distribution.logprob(action_datas, actions)
    logprobs = _gaussian_logprob(action_mean, action_std, actions)
    # top_logprobs = logprobs[top_idx]  (gather)
    top_logprobs = jnp.take(logprobs, top_idx, axis=0)
    ratio = top_adv / (temperature + 0.001)
    psi = jax.nn.softmax(ratio, axis=0)
    loss = -1.0 * jnp.sum(psi * top_logprobs)
    return loss

if __name__ == "__main__":
    import jax
    _d = setup_inputs()
    print(jax.jit(kernel)(*tuple(_d.values())))

</pallas_src>

<mosaic_0001>
#map = affine_map<(d0, d1) -> (0, 0)>
#map1 = affine_map<(d0, d1) -> (0)>
#map2 = affine_map<(d0, d1) -> (0, 0, 0)>
module attributes {stable_mosaic.version = 14 : i64} {
  func.func @_sc_body(%arg0: i32, %arg1: i32, %arg2: memref<32768x128xf32, #tpu.memory_space<hbm>>, %arg3: memref<32768x128xf32, #tpu.memory_space<hbm>>, %arg4: memref<32768x128xf32, #tpu.memory_space<hbm>>, %arg5: memref<262144xf32, #tpu.memory_space<hbm>>, %arg6: memref<16xi32, #tpu.memory_space<hbm>>, %arg7: memref<16xf32, #tpu.memory_space<hbm>>, %arg8: memref<32x2x16xf32, #tpu.memory_space<hbm>>, %arg9: memref<256x128xf32, #tpu.memory_space<vmem>>, %arg10: memref<256x128xf32, #tpu.memory_space<vmem>>, %arg11: memref<256x128xf32, #tpu.memory_space<vmem>>, %arg12: memref<2048xf32, #tpu.memory_space<vmem>>, %arg13: memref<16xi32, #tpu.memory_space<vmem>>, %arg14: memref<16xf32, #tpu.memory_space<vmem>>, %arg15: memref<2x16xf32, #tpu.memory_space<vmem>>) attributes {dimension_semantics = [#tpu.dimension_semantics<core_parallel>, #tpu.dimension_semantics<subcore_parallel>], iteration_bounds = array<i64: 2, 16>, scalar_prefetch = 0 : i64, scratch_operands = 7 : i64, tpu.core_type = #tpu.core_type<sc_vector_subcore>, window_params = [{transform_indices = #map}, {transform_indices = #map}, {transform_indices = #map}, {transform_indices = #map1}, {transform_indices = #map1}, {transform_indices = #map1}, {transform_indices = #map2}]} {
    %mul3A = arith.constant 2 : i32
    %mul3A_0 = arith.muli %arg1, %mul3A : i32
    %add3A = arith.addi %mul3A_0, %arg0 : i32
    %mul3A_1 = arith.constant 8192 : i32
    %mul3A_2 = arith.muli %add3A, %mul3A_1 : i32
    "tpu.region"() ({
      %run_scoped3A = tpu.sem_alloc : memref<!tpu.dma_semaphore, #tpu.memory_space<semaphore_mem>>
      tpu.enqueue_dma source(%arg6 : memref<16xi32, #tpu.memory_space<hbm>>) target(%arg13 : memref<16xi32, #tpu.memory_space<vmem>>) target_semaphore(%run_scoped3A : memref<!tpu.dma_semaphore, #tpu.memory_space<semaphore_mem>>)
      tpu.wait_dma2 semaphore(%run_scoped3A : memref<!tpu.dma_semaphore, #tpu.memory_space<semaphore_mem>>) src(%arg6 : memref<16xi32, #tpu.memory_space<hbm>>) dst(%arg13 : memref<16xi32, #tpu.memory_space<vmem>>)
      tpu.yield
    }) : () -> ()
    "tpu.region"() ({
      %run_scoped3A = tpu.sem_alloc : memref<!tpu.dma_semaphore, #tpu.memory_space<semaphore_mem>>
      tpu.enqueue_dma source(%arg7 : memref<16xf32, #tpu.memory_space<hbm>>) target(%arg14 : memref<16xf32, #tpu.memory_space<vmem>>) target_semaphore(%run_scoped3A : memref<!tpu.dma_semaphore, #tpu.memory_space<semaphore_mem>>)
      tpu.wait_dma2 semaphore(%run_scoped3A : memref<!tpu.dma_semaphore, #tpu.memory_space<semaphore_mem>>) src(%arg7 : memref<16xf32, #tpu.memory_space<hbm>>) dst(%arg14 : memref<16xf32, #tpu.memory_space<vmem>>)
      tpu.yield
    }) : () -> ()
    %get3A = arith.constant 0 : index
    %get3A_3 = tpu.vector_load %arg13[%get3A] {strides = array<i32>} : memref<16xi32, #tpu.memory_space<vmem>>, vector<16xi32>,
    %get3A_4 = vector.shape_cast %get3A_3 : vector<16xi32> to vector<16xi32>
    %get3A_5 = arith.constant 0 : index
    %get3A_6 = tpu.vector_load %arg14[%get3A_5] {strides = array<i32>} : memref<16xf32, #tpu.memory_space<vmem>>, vector<16xf32>,
    %get3A_7 = vector.shape_cast %get3A_6 : vector<16xf32> to vector<16xf32>
    %slice3A = vector.extract_strided_slice %get3A_4 {offsets = [0], sizes = [1], strides = [1]} : vector<16xi32> to vector<1xi32>
    %squeeze3A = vector.extract %slice3A[0] : i32 from vector<1xi32>
    %slice3A_8 = vector.extract_strided_slice %get3A_4 {offsets = [1], sizes = [1], strides = [1]} : vector<16xi32> to vector<1xi32>
    %squeeze3A_9 = vector.extract %slice3A_8[0] : i32 from vector<1xi32>
    %slice3A_10 = vector.extract_strided_slice %get3A_7 {offsets = [0], sizes = [1], strides = [1]} : vector<16xf32> to vector<1xf32>
    %squeeze3A_11 = vector.extract %slice3A_10[0] : f32 from vector<1xf32>
    %broadcast_in_dim3A = arith.constant 1.000000e+00 : f32
    %broadcast_in_dim3A_12 = vector.broadcast %broadcast_in_dim3A : f32 to vector<16xf32>
    %div3A = arith.divf %broadcast_in_dim3A_12, %get3A_7 : vector<16xf32>
    %slice3A_13 = vector.extract_strided_slice %div3A {offsets = [1], sizes = [1], strides = [1]} : vector<16xf32> to vector<1xf32>
    %squeeze3A_14 = vector.extract %slice3A_13[0] : f32 from vector<1xf32>
    %broadcast_in_dim3A_15 = arith.constant 0.000000e+00 : f32
    %broadcast_in_dim3A_16 = vector.broadcast %broadcast_in_dim3A_15 : f32 to vector<16xf32>
    %scan3A = arith.constant 0.285714298 : f32
    %scan3A_17 = arith.constant 4.000000e-01 : f32
    %scan3A_18 = arith.constant 0.666666686 : f32
    %scan3A_19 = arith.constant 2.000000e+00 : f32
    %scan3A_20 = arith.constant -5.000000e-01 : f32
    %scan3A_21 = arith.constant 0 : i32
    %scan3A_22 = arith.constant 4 : i32
    %scan3A_23 = arith.addi %scan3A_21, %scan3A_22 : i32
    %scan3A_24 = arith.constant 1 : i32
    %scan3A_25:5 = scf.for %scan3A_41 = %scan3A_21 to %scan3A_23 step %scan3A_24 iter_args(%scan3A_42 = %broadcast_in_dim3A_16, %scan3A_43 = %broadcast_in_dim3A_16, %scan3A_44 = %broadcast_in_dim3A_16, %scan3A_45 = %broadcast_in_dim3A_16, %scan3A_46 = %broadcast_in_dim3A_16) -> (vector<16xf32>, vector<16xf32>, vector<16xf32>, vector<16xf32>, vector<16xf32>)  : i32 {
      %mul3A_47 = arith.constant 2048 : i32
      %mul3A_48 = arith.muli %scan3A_41, %mul3A_47 : i32
      %add3A_49 = arith.addi %mul3A_2, %mul3A_48 : i32
      %mul3A_50 = arith.constant 16 : i32
      %mul3A_51 = arith.muli %add3A_49, %mul3A_50 : i32
      %jit3A = arith.constant 128 : i32
      %div3A_52 = arith.divsi %mul3A_51, %jit3A : i32
      %sign3A = arith.constant 0 : i32
      %sign3A_53 = arith.cmpi sgt, %mul3A_51, %sign3A : i32
      %sign3A_54 = arith.extui %sign3A_53 : i1 to i32
      %sign3A_55 = arith.constant 0 : i32
      %sign3A_56 = arith.cmpi slt, %mul3A_51, %sign3A_55 : i32
      %sign3A_57 = arith.extui %sign3A_56 : i1 to i32
      %sign3A_58 = arith.subi %sign3A_54, %sign3A_57 : i32
      %sign3A_59 = arith.constant 0 : i32
      %sign3A_60 = arith.cmpi sgt, %jit3A, %sign3A_59 : i32
      %sign3A_61 = arith.extui %sign3A_60 : i1 to i32
      %sign3A_62 = arith.constant 0 : i32
      %sign3A_63 = arith.cmpi slt, %jit3A, %sign3A_62 : i32
      %sign3A_64 = arith.extui %sign3A_63 : i1 to i32
      %sign3A_65 = arith.subi %sign3A_61, %sign3A_64 : i32
      %ne3A = arith.cmpi ne, %sign3A_58, %sign3A_65 : i32
      %rem3A = arith.remsi %mul3A_51, %jit3A : i32
      %ne3A_66 = arith.constant 0 : i32
      %ne3A_67 = arith.cmpi ne, %rem3A, %ne3A_66 : i32
      %and3A = arith.andi %ne3A, %ne3A_67 : i1
      %sub3A = arith.constant 1 : i32
      %sub3A_68 = arith.subi %div3A_52, %sub3A : i32
      %select_n3A = arith.select %and3A, %sub3A_68, %div3A_52 : i32
      %multiple_of3A = tpu.assume_multiple %select_n3A, 256 : i32
      %multiple_of3A_69 = tpu.assume_multiple %add3A_49, 2048 : i32
      "tpu.region"() ({
        %run_scoped3A = tpu.sem_alloc : memref<!tpu.dma_semaphore, #tpu.memory_space<semaphore_mem>>
        %dma_start3A = arith.constant 0 : i32
        %dma_start3A_73 = tpu.memref_slice %arg2[%multiple_of3A, %dma_start3A] : memref<32768x128xf32, #tpu.memory_space<hbm>> -> memref<256x128xf32, #tpu.memory_space<hbm>>
        %dma_start3A_74 = arith.constant 0 : i32
        %dma_start3A_75 = tpu.memref_slice %arg2[%multiple_of3A, %dma_start3A_74] : memref<32768x128xf32, #tpu.memory_space<hbm>> -> memref<256x128xf32, #tpu.memory_space<hbm>>
        tpu.enqueue_dma source(%dma_start3A_75 : memref<256x128xf32, #tpu.memory_space<hbm>>) target(%arg9 : memref<256x128xf32, #tpu.memory_space<vmem>>) target_semaphore(%run_scoped3A : memref<!tpu.dma_semaphore, #tpu.memory_space<semaphore_mem>>)
        %dma_wait3A = arith.constant 0 : i32
        %dma_wait3A_76 = tpu.memref_slice %arg2[%multiple_of3A, %dma_wait3A] : memref<32768x128xf32, #tpu.memory_space<hbm>> -> memref<256x128xf32, #tpu.memory_space<hbm>>
        %dma_wait3A_77 = arith.constant 0 : i32
        %dma_wait3A_78 = tpu.memref_slice %arg2[%multiple_of3A, %dma_wait3A_77] : memref<32768x128xf32, #tpu.memory_space<hbm>> -> memref<256x128xf32, #tpu.memory_space<hbm>>
        tpu.wait_dma2 semaphore(%run_scoped3A : memref<!tpu.dma_semaphore, #tpu.memory_space<semaphore_mem>>) src(%dma_wait3A_78 : memref<256x128xf32, #tpu.memory_space<hbm>>) dst(%arg9 : memref<256x128xf32, #tpu.memory_space<vmem>>)
        tpu.yield
      }) : () -> ()
      "tpu.region"() ({
        %run_scoped3A = tpu.sem_alloc : memref<!tpu.dma_semaphore, #tpu.memory_space<semaphore_mem>>
        %dma_start3A = arith.constant 0 : i32
        %dma_start3A_73 = tpu.memref_slice %arg3[%multiple_of3A, %dma_start3A] : memref<32768x128xf32, #tpu.memory_space<hbm>> -> memref<256x128xf32, #tpu.memory_space<hbm>>
        %dma_start3A_74 = arith.constant 0 : i32
        %dma_start3A_75 = tpu.memref_slice %arg3[%multiple_of3A, %dma_start3A_74] : memref<32768x128xf32, #tpu.memory_space<hbm>> -> memref<256x128xf32, #tpu.memory_space<hbm>>
        tpu.enqueue_dma source(%dma_start3A_75 : memref<256x128xf32, #tpu.memory_space<hbm>>) target(%arg10 : memref<256x128xf32, #tpu.memory_space<vmem>>) target_semaphore(%run_scoped3A : memref<!tpu.dma_semaphore, #tpu.memory_space<semaphore_mem>>)
        %dma_wait3A = arith.constant 0 : i32
        %dma_wait3A_76 = tpu.memref_slice %arg3[%multiple_of3A, %dma_wait3A] : memref<32768x128xf32, #tpu.memory_space<hbm>> -> memref<256x128xf32, #tpu.memory_space<hbm>>
        %dma_wait3A_77 = arith.constant 0 : i32
        %dma_wait3A_78 = tpu.memref_slice %arg3[%multiple_of3A, %dma_wait3A_77] : memref<32768x128xf32, #tpu.memory_space<hbm>> -> memref<256x128xf32, #tpu.memory_space<hbm>>
        tpu.wait_dma2 semaphore(%run_scoped3A : memref<!tpu.dma_semaphore, #tpu.memory_space<semaphore_mem>>) src(%dma_wait3A_78 : memref<256x128xf32, #tpu.memory_space<hbm>>) dst(%arg10 : memref<256x128xf32, #tpu.memory_space<vmem>>)
        tpu.yield
      }) : () -> ()
      "tpu.region"() ({
        %run_scoped3A = tpu.sem_alloc : memref<!tpu.dma_semaphore, #tpu.memory_space<semaphore_mem>>
        %dma_start3A = arith.constant 0 : i32
        %dma_start3A_73 = tpu.memref_slice %arg4[%multiple_of3A, %dma_start3A] : memref<32768x128xf32, #tpu.memory_space<hbm>> -> memref<256x128xf32, #tpu.memory_space<hbm>>
        %dma_start3A_74 = arith.constant 0 : i32
        %dma_start3A_75 = tpu.memref_slice %arg4[%multiple_of3A, %dma_start3A_74] : memref<32768x128xf32, #tpu.memory_space<hbm>> -> memref<256x128xf32, #tpu.memory_space<hbm>>
        tpu.enqueue_dma source(%dma_start3A_75 : memref<256x128xf32, #tpu.memory_space<hbm>>) target(%arg11 : memref<256x128xf32, #tpu.memory_space<vmem>>) target_semaphore(%run_scoped3A : memref<!tpu.dma_semaphore, #tpu.memory_space<semaphore_mem>>)
        %dma_wait3A = arith.constant 0 : i32
        %dma_wait3A_76 = tpu.memref_slice %arg4[%multiple_of3A, %dma_wait3A] : memref<32768x128xf32, #tpu.memory_space<hbm>> -> memref<256x128xf32, #tpu.memory_space<hbm>>
        %dma_wait3A_77 = arith.constant 0 : i32
        %dma_wait3A_78 = tpu.memref_slice %arg4[%multiple_of3A, %dma_wait3A_77] : memref<32768x128xf32, #tpu.memory_space<hbm>> -> memref<256x128xf32, #tpu.memory_space<hbm>>
        tpu.wait_dma2 semaphore(%run_scoped3A : memref<!tpu.dma_semaphore, #tpu.memory_space<semaphore_mem>>) src(%dma_wait3A_78 : memref<256x128xf32, #tpu.memory_space<hbm>>) dst(%arg11 : memref<256x128xf32, #tpu.memory_space<vmem>>)
        tpu.yield
      }) : () -> ()
      "tpu.region"() ({
        %run_scoped3A = tpu.sem_alloc : memref<!tpu.dma_semaphore, #tpu.memory_space<semaphore_mem>>
        %dma_start3A = tpu.memref_slice %arg5[%multiple_of3A_69] : memref<262144xf32, #tpu.memory_space<hbm>> -> memref<2048xf32, #tpu.memory_space<hbm>>
        %dma_start3A_73 = tpu.memref_slice %arg5[%multiple_of3A_69] : memref<262144xf32, #tpu.memory_space<hbm>> -> memref<2048xf32, #tpu.memory_space<hbm>>
        tpu.enqueue_dma source(%dma_start3A_73 : memref<2048xf32, #tpu.memory_space<hbm>>) target(%arg12 : memref<2048xf32, #tpu.memory_space<vmem>>) target_semaphore(%run_scoped3A : memref<!tpu.dma_semaphore, #tpu.memory_space<semaphore_mem>>)
        %dma_wait3A = tpu.memref_slice %arg5[%multiple_of3A_69] : memref<262144xf32, #tpu.memory_space<hbm>> -> memref<2048xf32, #tpu.memory_space<hbm>>
        %dma_wait3A_74 = tpu.memref_slice %arg5[%multiple_of3A_69] : memref<262144xf32, #tpu.memory_space<hbm>> -> memref<2048xf32, #tpu.memory_space<hbm>>
        tpu.wait_dma2 semaphore(%run_scoped3A : memref<!tpu.dma_semaphore, #tpu.memory_space<semaphore_mem>>) src(%dma_wait3A_74 : memref<2048xf32, #tpu.memory_space<hbm>>) dst(%arg12 : memref<2048xf32, #tpu.memory_space<vmem>>)
        tpu.yield
      }) : () -> ()
      %parallel_loop3A = arith.constant 0 : i32
      %parallel_loop3A_70 = arith.constant 128 : i32
      %parallel_loop3A_71 = arith.constant 1 : i32
      %parallel_loop3A_72:5 = scf.for %parallel_loop3A_73 = %parallel_loop3A to %parallel_loop3A_70 step %parallel_loop3A_71 iter_args(%parallel_loop3A_74 = %scan3A_42, %parallel_loop3A_75 = %scan3A_43, %parallel_loop3A_76 = %scan3A_44, %parallel_loop3A_77 = %scan3A_45, %parallel_loop3A_78 = %scan3A_46) -> (vector<16xf32>, vector<16xf32>, vector<16xf32>, vector<16xf32>, vector<16xf32>)  : i32 {
        %parallel_loop3A_79 = arith.constant 16 : i32
        %parallel_loop3A_80 = arith.muli %parallel_loop3A_73, %parallel_loop3A_79 : i32
        %parallel_loop3A_81 = arith.index_cast %parallel_loop3A_80 : i32 to index
        %parallel_loop3A_82 = tpu.vector_load %arg12[%parallel_loop3A_81] {strides = array<i32>} : memref<2048xf32, #tpu.memory_space<vmem>>, vector<16xf32>,
        %parallel_loop3A_83 = vector.shape_cast %parallel_loop3A_82 : vector<16xf32> to vector<16xf32>
        %parallel_loop3A_84 = tpu.bitcast %parallel_loop3A_83 : vector<16xf32> -> vector<16xi32>
        %parallel_loop3A_85 = arith.constant 31 : i32
        %parallel_loop3A_86 = vector.broadcast %parallel_loop3A_85 : i32 to vector<16xi32>
        %parallel_loop3A_87 = arith.shrsi %parallel_loop3A_84, %parallel_loop3A_86 : vector<16xi32>
        %parallel_loop3A_88 = arith.constant 2147483647 : i32
        %parallel_loop3A_89 = vector.broadcast %parallel_loop3A_88 : i32 to vector<16xi32>
        %parallel_loop3A_90 = arith.andi %parallel_loop3A_87, %parallel_loop3A_89 : vector<16xi32>
        %parallel_loop3A_91 = arith.xori %parallel_loop3A_84, %parallel_loop3A_90 : vector<16xi32>
        %parallel_loop3A_92 = arith.constant 16 : i32
        %parallel_loop3A_93 = arith.muli %parallel_loop3A_73, %parallel_loop3A_92 : i32
        %parallel_loop3A_94 = arith.addi %add3A_49, %parallel_loop3A_93 : i32
        %parallel_loop3A_95 = tpu.iota {dimensions = array<i32: 0>} : vector<16xi32>
        %parallel_loop3A_96 = vector.broadcast %parallel_loop3A_94 : i32 to vector<16xi32>
        %parallel_loop3A_97 = arith.addi %parallel_loop3A_96, %parallel_loop3A_95 : vector<16xi32>
        %parallel_loop3A_98 = vector.broadcast %squeeze3A : i32 to vector<16xi32>
        %parallel_loop3A_99 = arith.cmpi sgt, %parallel_loop3A_91, %parallel_loop3A_98 : vector<16xi32>
        %parallel_loop3A_100 = vector.broadcast %squeeze3A : i32 to vector<16xi32>
        %parallel_loop3A_101 = arith.cmpi eq, %parallel_loop3A_91, %parallel_loop3A_100 : vector<16xi32>
        %parallel_loop3A_102 = vector.broadcast %squeeze3A_9 : i32 to vector<16xi32>
        %parallel_loop3A_103 = arith.cmpi sle, %parallel_loop3A_97, %parallel_loop3A_102 : vector<16xi32>
        %parallel_loop3A_104 = arith.andi %parallel_loop3A_101, %parallel_loop3A_103 : vector<16xi1>
        %parallel_loop3A_105 = arith.ori %parallel_loop3A_99, %parallel_loop3A_104 : vector<16xi1>
        %parallel_loop3A_106 = vector.broadcast %squeeze3A_11 : f32 to vector<16xf32>
        %parallel_loop3A_107 = arith.subf %parallel_loop3A_83, %parallel_loop3A_106 : vector<16xf32>
        %parallel_loop3A_108 = vector.broadcast %squeeze3A_14 : f32 to vector<16xf32>
        %parallel_loop3A_109 = arith.mulf %parallel_loop3A_107, %parallel_loop3A_108 : vector<16xf32>
        %parallel_loop3A_110 = math.exp %parallel_loop3A_109 : vector<16xf32>
        %parallel_loop3A_111 = arith.constant 0.000000e+00 : f32
        %parallel_loop3A_112 = vector.broadcast %parallel_loop3A_111 : f32 to vector<16xf32>
        %parallel_loop3A_113 = arith.select %parallel_loop3A_105, %parallel_loop3A_110, %parallel_loop3A_112 : vector<16xi1>, vector<16xf32>
        %parallel_loop3A_114 = arith.addf %parallel_loop3A_78, %parallel_loop3A_113 : vector<16xf32>
        %parallel_loop3A_115 = arith.constant 2 : i32
        %parallel_loop3A_116 = arith.muli %parallel_loop3A_115, %parallel_loop3A_73 : i32
        %parallel_loop3A_117 = arith.constant 0 : i32
        %parallel_loop3A_118 = arith.addi %parallel_loop3A_116, %parallel_loop3A_117 : i32
        %parallel_loop3A_119 = arith.index_cast %parallel_loop3A_118 : i32 to index
        %parallel_loop3A_120 = arith.constant 0 : index
        %parallel_loop3A_121 = tpu.vector_load %arg9[%parallel_loop3A_119, %parallel_loop3A_120] {strides = array<i32>} : memref<256x128xf32, #tpu.memory_space<vmem>>, vector<1x16xf32>,
        %parallel_loop3A_122 = vector.shape_cast %parallel_loop3A_121 : vector<1x16xf32> to vector<16xf32>
        %parallel_loop3A_123 = arith.index_cast %parallel_loop3A_118 : i32 to index
        %parallel_loop3A_124 = arith.constant 0 : index
        %parallel_loop3A_125 = tpu.vector_load %arg10[%parallel_loop3A_123, %parallel_loop3A_124] {strides = array<i32>} : memref<256x128xf32, #tpu.memory_space<vmem>>, vector<1x16xf32>,
        %parallel_loop3A_126 = vector.shape_cast %parallel_loop3A_125 : vector<1x16xf32> to vector<16xf32>
        %parallel_loop3A_127 = arith.index_cast %parallel_loop3A_118 : i32 to index
        %parallel_loop3A_128 = arith.constant 0 : index
        %parallel_loop3A_129 = tpu.vector_load %arg11[%parallel_loop3A_127, %parallel_loop3A_128] {strides = array<i32>} : memref<256x128xf32, #tpu.memory_space<vmem>>, vector<1x16xf32>,
        %parallel_loop3A_130 = vector.shape_cast %parallel_loop3A_129 : vector<1x16xf32> to vector<16xf32>
        %parallel_loop3A_131 = arith.constant 1.000000e+00 : f32
        %parallel_loop3A_132 = vector.broadcast %parallel_loop3A_131 : f32 to vector<16xf32>
        %parallel_loop3A_133 = arith.mulf %parallel_loop3A_126, %parallel_loop3A_126 : vector<16xf32>
        %parallel_loop3A_134 = arith.addf %parallel_loop3A_126, %parallel_loop3A_133 : vector<16xf32>
        %parallel_loop3A_135 = arith.divf %parallel_loop3A_132, %parallel_loop3A_134 : vector<16xf32>
        %parallel_loop3A_136 = arith.mulf %parallel_loop3A_135, %parallel_loop3A_126 : vector<16xf32>
        %parallel_loop3A_137 = arith.addf %parallel_loop3A_135, %parallel_loop3A_136 : vector<16xf32>
        %parallel_loop3A_138 = arith.subf %parallel_loop3A_130, %parallel_loop3A_122 : vector<16xf32>
        %parallel_loop3A_139 = arith.mulf %parallel_loop3A_138, %parallel_loop3A_137 : vector<16xf32>
        %parallel_loop3A_140 = arith.constant 1.000000e+00 : f32
        %parallel_loop3A_141 = vector.broadcast %parallel_loop3A_140 : f32 to vector<16xf32>
        %parallel_loop3A_142 = arith.subf %parallel_loop3A_141, %parallel_loop3A_126 : vector<16xf32>
        %parallel_loop3A_143 = arith.mulf %parallel_loop3A_135, %parallel_loop3A_126 : vector<16xf32>
        %parallel_loop3A_144 = arith.mulf %parallel_loop3A_142, %parallel_loop3A_143 : vector<16xf32>
        %parallel_loop3A_145 = arith.mulf %parallel_loop3A_144, %parallel_loop3A_144 : vector<16xf32>
        %parallel_loop3A_146 = vector.broadcast %scan3A : f32 to vector<16xf32>
        %parallel_loop3A_147 = arith.mulf %parallel_loop3A_145, %parallel_loop3A_146 : vector<16xf32>
        %parallel_loop3A_148 = vector.broadcast %scan3A_17 : f32 to vector<16xf32>
        %parallel_loop3A_149 = arith.addf %parallel_loop3A_148, %parallel_loop3A_147 : vector<16xf32>
        %parallel_loop3A_150 = arith.mulf %parallel_loop3A_145, %parallel_loop3A_149 : vector<16xf32>
        %parallel_loop3A_151 = vector.broadcast %scan3A_18 : f32 to vector<16xf32>
        %parallel_loop3A_152 = arith.addf %parallel_loop3A_151, %parallel_loop3A_150 : vector<16xf32>
        %parallel_loop3A_153 = arith.mulf %parallel_loop3A_145, %parallel_loop3A_152 : vector<16xf32>
        %parallel_loop3A_154 = vector.broadcast %scan3A_19 : f32 to vector<16xf32>
        %parallel_loop3A_155 = arith.addf %parallel_loop3A_154, %parallel_loop3A_153 : vector<16xf32>
        %parallel_loop3A_156 = arith.mulf %parallel_loop3A_144, %parallel_loop3A_155 : vector<16xf32>
        %parallel_loop3A_157 = arith.constant 0.000000e+00 : f32
        %parallel_loop3A_158 = vector.broadcast %parallel_loop3A_157 : f32 to vector<16xf32>
        %parallel_loop3A_159 = arith.subf %parallel_loop3A_158, %parallel_loop3A_156 : vector<16xf32>
        %parallel_loop3A_160 = arith.mulf %parallel_loop3A_139, %parallel_loop3A_139 : vector<16xf32>
        %parallel_loop3A_161 = vector.broadcast %scan3A_20 : f32 to vector<16xf32>
        %parallel_loop3A_162 = arith.mulf %parallel_loop3A_161, %parallel_loop3A_160 : vector<16xf32>
        %parallel_loop3A_163 = arith.subf %parallel_loop3A_162, %parallel_loop3A_159 : vector<16xf32>
        %parallel_loop3A_164 = vector.extract_strided_slice %parallel_loop3A_113 {offsets = [0], sizes = [1], strides = [1]} : vector<16xf32> to vector<1xf32>
        %parallel_loop3A_165 = vector.extract %parallel_loop3A_164[0] : f32 from vector<1xf32>
        %parallel_loop3A_166 = vector.broadcast %parallel_loop3A_165 : f32 to vector<16xf32>
        %parallel_loop3A_167 = arith.mulf %parallel_loop3A_166, %parallel_loop3A_163 : vector<16xf32>
        %parallel_loop3A_168 = arith.addf %parallel_loop3A_74, %parallel_loop3A_167 : vector<16xf32>
        %parallel_loop3A_169 = arith.constant 2 : i32
        %parallel_loop3A_170 = arith.muli %parallel_loop3A_169, %parallel_loop3A_73 : i32
        %parallel_loop3A_171 = arith.constant 0 : i32
        %parallel_loop3A_172 = arith.addi %parallel_loop3A_170, %parallel_loop3A_171 : i32
        %parallel_loop3A_173 = arith.index_cast %parallel_loop3A_172 : i32 to index
        %parallel_loop3A_174 = arith.constant 16 : index
        %parallel_loop3A_175 = tpu.vector_load %arg9[%parallel_loop3A_173, %parallel_loop3A_174] {strides = array<i32>} : memref<256x128xf32, #tpu.memory_space<vmem>>, vector<1x16xf32>,
        %parallel_loop3A_176 = vector.shape_cast %parallel_loop3A_175 : vector<1x16xf32> to vector<16xf32>
        %parallel_loop3A_177 = arith.index_cast %parallel_loop3A_172 : i32 to index
        %parallel_loop3A_178 = arith.constant 16 : index
        %parallel_loop3A_179 = tpu.vector_load %arg10[%parallel_loop3A_177, %parallel_loop3A_178] {strides = array<i32>} : memref<256x128xf32, #tpu.memory_space<vmem>>, vector<1x16xf32>,
        %parallel_loop3A_180 = vector.shape_cast %parallel_loop3A_179 : vector<1x16xf32> to vector<16xf32>
        %parallel_loop3A_181 = arith.index_cast %parallel_loop3A_172 : i32 to index
        %parallel_loop3A_182 = arith.constant 16 : index
        %parallel_loop3A_183 = tpu.vector_load %arg11[%parallel_loop3A_181, %parallel_loop3A_182] {strides = array<i32>} : memref<256x128xf32, #tpu.memory_space<vmem>>, vector<1x16xf32>,
        %parallel_loop3A_184 = vector.shape_cast %parallel_loop3A_183 : vector<1x16xf32> to vector<16xf32>
        %parallel_loop3A_185 = arith.constant 1.000000e+00 : f32
        %parallel_loop3A_186 = vector.broadcast %parallel_loop3A_185 : f32 to vector<16xf32>
        %parallel_loop3A_187 = arith.mulf %parallel_loop3A_180, %parallel_loop3A_180 : vector<16xf32>
        %parallel_loop3A_188 = arith.addf %parallel_loop3A_180, %parallel_loop3A_187 : vector<16xf32>
        %parallel_loop3A_189 = arith.divf %parallel_loop3A_186, %parallel_loop3A_188 : vector<16xf32>
        %parallel_loop3A_190 = arith.mulf %parallel_loop3A_189, %parallel_loop3A_180 : vector<16xf32>
        %parallel_loop3A_191 = arith.addf %parallel_loop3A_189, %parallel_loop3A_190 : vector<16xf32>
        %parallel_loop3A_192 = arith.subf %parallel_loop3A_184, %parallel_loop3A_176 : vector<16xf32>
        %parallel_loop3A_193 = arith.mulf %parallel_loop3A_192, %parallel_loop3A_191 : vector<16xf32>
        %parallel_loop3A_194 = arith.constant 1.000000e+00 : f32
        %parallel_loop3A_195 = vector.broadcast %parallel_loop3A_194 : f32 to vector<16xf32>
        %parallel_loop3A_196 = arith.subf %parallel_loop3A_195, %parallel_loop3A_180 : vector<16xf32>
        %parallel_loop3A_197 = arith.mulf %parallel_loop3A_189, %parallel_loop3A_180 : vector<16xf32>
        %parallel_loop3A_198 = arith.mulf %parallel_loop3A_196, %parallel_loop3A_197 : vector<16xf32>
        %parallel_loop3A_199 = arith.mulf %parallel_loop3A_198, %parallel_loop3A_198 : vector<16xf32>
        %parallel_loop3A_200 = vector.broadcast %scan3A : f32 to vector<16xf32>
        %parallel_loop3A_201 = arith.mulf %parallel_loop3A_199, %parallel_loop3A_200 : vector<16xf32>
        %parallel_loop3A_202 = vector.broadcast %scan3A_17 : f32 to vector<16xf32>
        %parallel_loop3A_203 = arith.addf %parallel_loop3A_202, %parallel_loop3A_201 : vector<16xf32>
        %parallel_loop3A_204 = arith.mulf %parallel_loop3A_199, %parallel_loop3A_203 : vector<16xf32>
        %parallel_loop3A_205 = vector.broadcast %scan3A_18 : f32 to vector<16xf32>
        %parallel_loop3A_206 = arith.addf %parallel_loop3A_205, %parallel_loop3A_204 : vector<16xf32>
        %parallel_loop3A_207 = arith.mulf %parallel_loop3A_199, %parallel_loop3A_206 : vector<16xf32>
        %parallel_loop3A_208 = vector.broadcast %scan3A_19 : f32 to vector<16xf32>
        %parallel_loop3A_209 = arith.addf %parallel_loop3A_208, %parallel_loop3A_207 : vector<16xf32>
        %parallel_loop3A_210 = arith.mulf %parallel_loop3A_198, %parallel_loop3A_209 : vector<16xf32>
        %parallel_loop3A_211 = arith.constant 0.000000e+00 : f32
        %parallel_loop3A_212 = vector.broadcast %parallel_loop3A_211 : f32 to vector<16xf32>
        %parallel_loop3A_213 = arith.subf %parallel_loop3A_212, %parallel_loop3A_210 : vector<16xf32>
        %parallel_loop3A_214 = arith.mulf %parallel_loop3A_193, %parallel_loop3A_193 : vector<16xf32>
        %parallel_loop3A_215 = vector.broadcast %scan3A_20 : f32 to vector<16xf32>
        %parallel_loop3A_216 = arith.mulf %parallel_loop3A_215, %parallel_loop3A_214 : vector<16xf32>
        %parallel_loop3A_217 = arith.subf %parallel_loop3A_216, %parallel_loop3A_213 : vector<16xf32>
        %parallel_loop3A_218 = vector.extract_strided_slice %parallel_loop3A_113 {offsets = [1], sizes = [1], strides = [1]} : vector<16xf32> to vector<1xf32>
        %parallel_loop3A_219 = vector.extract %parallel_loop3A_218[0] : f32 from vector<1xf32>
        %parallel_loop3A_220 = vector.broadcast %parallel_loop3A_219 : f32 to vector<16xf32>
        %parallel_loop3A_221 = arith.mulf %parallel_loop3A_220, %parallel_loop3A_217 : vector<16xf32>
        %parallel_loop3A_222 = arith.addf %parallel_loop3A_75, %parallel_loop3A_221 : vector<16xf32>
        %parallel_loop3A_223 = arith.constant 2 : i32
        %parallel_loop3A_224 = arith.muli %parallel_loop3A_223, %parallel_loop3A_73 : i32
        %parallel_loop3A_225 = arith.constant 0 : i32
        %parallel_loop3A_226 = arith.addi %parallel_loop3A_224, %parallel_loop3A_225 : i32
        %parallel_loop3A_227 = arith.index_cast %parallel_loop3A_226 : i32 to index
        %parallel_loop3A_228 = arith.constant 32 : index
        %parallel_loop3A_229 = tpu.vector_load %arg9[%parallel_loop3A_227, %parallel_loop3A_228] {strides = array<i32>} : memref<256x128xf32, #tpu.memory_space<vmem>>, vector<1x16xf32>,
        %parallel_loop3A_230 = vector.shape_cast %parallel_loop3A_229 : vector<1x16xf32> to vector<16xf32>
        %parallel_loop3A_231 = arith.index_cast %parallel_loop3A_226 : i32 to index
        %parallel_loop3A_232 = arith.constant 32 : index
        %parallel_loop3A_233 = tpu.vector_load %arg10[%parallel_loop3A_231, %parallel_loop3A_232] {strides = array<i32>} : memref<256x128xf32, #tpu.memory_space<vmem>>, vector<1x16xf32>,
        %parallel_loop3A_234 = vector.shape_cast %parallel_loop3A_233 : vector<1x16xf32> to vector<16xf32>
        %parallel_loop3A_235 = arith.index_cast %parallel_loop3A_226 : i32 to index
        %parallel_loop3A_236 = arith.constant 32 : index
        %parallel_loop3A_237 = tpu.vector_load %arg11[%parallel_loop3A_235, %parallel_loop3A_236] {strides = array<i32>} : memref<256x128xf32, #tpu.memory_space<vmem>>, vector<1x16xf32>,
        %parallel_loop3A_238 = vector.shape_cast %parallel_loop3A_237 : vector<1x16xf32> to vector<16xf32>
        %parallel_loop3A_239 = arith.constant 1.000000e+00 : f32
        %parallel_loop3A_240 = vector.broadcast %parallel_loop3A_239 : f32 to vector<16xf32>
        %parallel_loop3A_241 = arith.mulf %parallel_loop3A_234, %parallel_loop3A_234 : vector<16xf32>
        %parallel_loop3A_242 = arith.addf %parallel_loop3A_234, %parallel_loop3A_241 : vector<16xf32>
        %parallel_loop3A_243 = arith.divf %parallel_loop3A_240, %parallel_loop3A_242 : vector<16xf32>
        %parallel_loop3A_244 = arith.mulf %parallel_loop3A_243, %parallel_loop3A_234 : vector<16xf32>
        %parallel_loop3A_245 = arith.addf %parallel_loop3A_243, %parallel_loop3A_244 : vector<16xf32>
        %parallel_loop3A_246 = arith.subf %parallel_loop3A_238, %parallel_loop3A_230 : vector<16xf32>
        %parallel_loop3A_247 = arith.mulf %parallel_loop3A_246, %parallel_loop3A_245 : vector<16xf32>
        %parallel_loop3A_248 = arith.constant 1.000000e+00 : f32
        %parallel_loop3A_249 = vector.broadcast %parallel_loop3A_248 : f32 to vector<16xf32>
        %parallel_loop3A_250 = arith.subf %parallel_loop3A_249, %parallel_loop3A_234 : vector<16xf32>
        %parallel_loop3A_251 = arith.mulf %parallel_loop3A_243, %parallel_loop3A_234 : vector<16xf32>
        %parallel_loop3A_252 = arith.mulf %parallel_loop3A_250, %parallel_loop3A_251 : vector<16xf32>
        %parallel_loop3A_253 = arith.mulf %parallel_loop3A_252, %parallel_loop3A_252 : vector<16xf32>
        %parallel_loop3A_254 = vector.broadcast %scan3A : f32 to vector<16xf32>
        %parallel_loop3A_255 = arith.mulf %parallel_loop3A_253, %parallel_loop3A_254 : vector<16xf32>
        %parallel_loop3A_256 = vector.broadcast %scan3A_17 : f32 to vector<16xf32>
        %parallel_loop3A_257 = arith.addf %parallel_loop3A_256, %parallel_loop3A_255 : vector<16xf32>
        %parallel_loop3A_258 = arith.mulf %parallel_loop3A_253, %parallel_loop3A_257 : vector<16xf32>
        %parallel_loop3A_259 = vector.broadcast %scan3A_18 : f32 to vector<16xf32>
        %parallel_loop3A_260 = arith.addf %parallel_loop3A_259, %parallel_loop3A_258 : vector<16xf32>
        %parallel_loop3A_261 = arith.mulf %parallel_loop3A_253, %parallel_loop3A_260 : vector<16xf32>
        %parallel_loop3A_262 = vector.broadcast %scan3A_19 : f32 to vector<16xf32>
        %parallel_loop3A_263 = arith.addf %parallel_loop3A_262, %parallel_loop3A_261 : vector<16xf32>
        %parallel_loop3A_264 = arith.mulf %parallel_loop3A_252, %parallel_loop3A_263 : vector<16xf32>
        %parallel_loop3A_265 = arith.constant 0.000000e+00 : f32
        %parallel_loop3A_266 = vector.broadcast %parallel_loop3A_265 : f32 to vector<16xf32>
        %parallel_loop3A_267 = arith.subf %parallel_loop3A_266, %parallel_loop3A_264 : vector<16xf32>
        %parallel_loop3A_268 = arith.mulf %parallel_loop3A_247, %parallel_loop3A_247 : vector<16xf32>
        %parallel_loop3A_269 = vector.broadcast %scan3A_20 : f32 to vector<16xf32>
        %parallel_loop3A_270 = arith.mulf %parallel_loop3A_269, %parallel_loop3A_268 : vector<16xf32>
        %parallel_loop3A_271 = arith.subf %parallel_loop3A_270, %parallel_loop3A_267 : vector<16xf32>
        %parallel_loop3A_272 = vector.extract_strided_slice %parallel_loop3A_113 {offsets = [2], sizes = [1], strides = [1]} : vector<16xf32> to vector<1xf32>
        %parallel_loop3A_273 = vector.extract %parallel_loop3A_272[0] : f32 from vector<1xf32>
        %parallel_loop3A_274 = vector.broadcast %parallel_loop3A_273 : f32 to vector<16xf32>
        %parallel_loop3A_275 = arith.mulf %parallel_loop3A_274, %parallel_loop3A_271 : vector<16xf32>
        %parallel_loop3A_276 = arith.addf %parallel_loop3A_76, %parallel_loop3A_275 : vector<16xf32>
        %parallel_loop3A_277 = arith.constant 2 : i32
        %parallel_loop3A_278 = arith.muli %parallel_loop3A_277, %parallel_loop3A_73 : i32
        %parallel_loop3A_279 = arith.constant 0 : i32
        %parallel_loop3A_280 = arith.addi %parallel_loop3A_278, %parallel_loop3A_279 : i32
        %parallel_loop3A_281 = arith.index_cast %parallel_loop3A_280 : i32 to index
        %parallel_loop3A_282 = arith.constant 48 : index
        %parallel_loop3A_283 = tpu.vector_load %arg9[%parallel_loop3A_281, %parallel_loop3A_282] {strides = array<i32>} : memref<256x128xf32, #tpu.memory_space<vmem>>, vector<1x16xf32>,
        %parallel_loop3A_284 = vector.shape_cast %parallel_loop3A_283 : vector<1x16xf32> to vector<16xf32>
        %parallel_loop3A_285 = arith.index_cast %parallel_loop3A_280 : i32 to index
        %parallel_loop3A_286 = arith.constant 48 : index
        %parallel_loop3A_287 = tpu.vector_load %arg10[%parallel_loop3A_285, %parallel_loop3A_286] {strides = array<i32>} : memref<256x128xf32, #tpu.memory_space<vmem>>, vector<1x16xf32>,
        %parallel_loop3A_288 = vector.shape_cast %parallel_loop3A_287 : vector<1x16xf32> to vector<16xf32>
        %parallel_loop3A_289 = arith.index_cast %parallel_loop3A_280 : i32 to index
        %parallel_loop3A_290 = arith.constant 48 : index
        %parallel_loop3A_291 = tpu.vector_load %arg11[%parallel_loop3A_289, %parallel_loop3A_290] {strides = array<i32>} : memref<256x128xf32, #tpu.memory_space<vmem>>, vector<1x16xf32>,
        %parallel_loop3A_292 = vector.shape_cast %parallel_loop3A_291 : vector<1x16xf32> to vector<16xf32>
        %parallel_loop3A_293 = arith.constant 1.000000e+00 : f32
        %parallel_loop3A_294 = vector.broadcast %parallel_loop3A_293 : f32 to vector<16xf32>
        %parallel_loop3A_295 = arith.mulf %parallel_loop3A_288, %parallel_loop3A_288 : vector<16xf32>
        %parallel_loop3A_296 = arith.addf %parallel_loop3A_288, %parallel_loop3A_295 : vector<16xf32>
        %parallel_loop3A_297 = arith.divf %parallel_loop3A_294, %parallel_loop3A_296 : vector<16xf32>
        %parallel_loop3A_298 = arith.mulf %parallel_loop3A_297, %parallel_loop3A_288 : vector<16xf32>
        %parallel_loop3A_299 = arith.addf %parallel_loop3A_297, %parallel_loop3A_298 : vector<16xf32>
        %parallel_loop3A_300 = arith.subf %parallel_loop3A_292, %parallel_loop3A_284 : vector<16xf32>
        %parallel_loop3A_301 = arith.mulf %parallel_loop3A_300, %parallel_loop3A_299 : vector<16xf32>
        %parallel_loop3A_302 = arith.constant 1.000000e+00 : f32
        %parallel_loop3A_303 = vector.broadcast %parallel_loop3A_302 : f32 to vector<16xf32>
        %parallel_loop3A_304 = arith.subf %parallel_loop3A_303, %parallel_loop3A_288 : vector<16xf32>
        %parallel_loop3A_305 = arith.mulf %parallel_loop3A_297, %parallel_loop3A_288 : vector<16xf32>
        %parallel_loop3A_306 = arith.mulf %parallel_loop3A_304, %parallel_loop3A_305 : vector<16xf32>
        %parallel_loop3A_307 = arith.mulf %parallel_loop3A_306, %parallel_loop3A_306 : vector<16xf32>
        %parallel_loop3A_308 = vector.broadcast %scan3A : f32 to vector<16xf32>
        %parallel_loop3A_309 = arith.mulf %parallel_loop3A_307, %parallel_loop3A_308 : vector<16xf32>
        %parallel_loop3A_310 = vector.broadcast %scan3A_17 : f32 to vector<16xf32>
        %parallel_loop3A_311 = arith.addf %parallel_loop3A_310, %parallel_loop3A_309 : vector<16xf32>
        %parallel_loop3A_312 = arith.mulf %parallel_loop3A_307, %parallel_loop3A_311 : vector<16xf32>
        %parallel_loop3A_313 = vector.broadcast %scan3A_18 : f32 to vector<16xf32>
        %parallel_loop3A_314 = arith.addf %parallel_loop3A_313, %parallel_loop3A_312 : vector<16xf32>
        %parallel_loop3A_315 = arith.mulf %parallel_loop3A_307, %parallel_loop3A_314 : vector<16xf32>
        %parallel_loop3A_316 = vector.broadcast %scan3A_19 : f32 to vector<16xf32>
        %parallel_loop3A_317 = arith.addf %parallel_loop3A_316, %parallel_loop3A_315 : vector<16xf32>
        %parallel_loop3A_318 = arith.mulf %parallel_loop3A_306, %parallel_loop3A_317 : vector<16xf32>
        %parallel_loop3A_319 = arith.constant 0.000000e+00 : f32
        %parallel_loop3A_320 = vector.broadcast %parallel_loop3A_319 : f32 to vector<16xf32>
        %parallel_loop3A_321 = arith.subf %parallel_loop3A_320, %parallel_loop3A_318 : vector<16xf32>
        %parallel_loop3A_322 = arith.mulf %parallel_loop3A_301, %parallel_loop3A_301 : vector<16xf32>
        %parallel_loop3A_323 = vector.broadcast %scan3A_20 : f32 to vector<16xf32>
        %parallel_loop3A_324 = arith.mulf %parallel_loop3A_323, %parallel_loop3A_322 : vector<16xf32>
        %parallel_loop3A_325 = arith.subf %parallel_loop3A_324, %parallel_loop3A_321 : vector<16xf32>
        %parallel_loop3A_326 = vector.extract_strided_slice %parallel_loop3A_113 {offsets = [3], sizes = [1], strides = [1]} : vector<16xf32> to vector<1xf32>
        %parallel_loop3A_327 = vector.extract %parallel_loop3A_326[0] : f32 from vector<1xf32>
        %parallel_loop3A_328 = vector.broadcast %parallel_loop3A_327 : f32 to vector<16xf32>
        %parallel_loop3A_329 = arith.mulf %parallel_loop3A_328, %parallel_loop3A_325 : vector<16xf32>
        %parallel_loop3A_330 = arith.addf %parallel_loop3A_77, %parallel_loop3A_329 : vector<16xf32>
        %parallel_loop3A_331 = arith.constant 2 : i32
        %parallel_loop3A_332 = arith.muli %parallel_loop3A_331, %parallel_loop3A_73 : i32
        %parallel_loop3A_333 = arith.constant 0 : i32
        %parallel_loop3A_334 = arith.addi %parallel_loop3A_332, %parallel_loop3A_333 : i32
        %parallel_loop3A_335 = arith.index_cast %parallel_loop3A_334 : i32 to index
        %parallel_loop3A_336 = arith.constant 64 : index
        %parallel_loop3A_337 = tpu.vector_load %arg9[%parallel_loop3A_335, %parallel_loop3A_336] {strides = array<i32>} : memref<256x128xf32, #tpu.memory_space<vmem>>, vector<1x16xf32>,
        %parallel_loop3A_338 = vector.shape_cast %parallel_loop3A_337 : vector<1x16xf32> to vector<16xf32>
        %parallel_loop3A_339 = arith.index_cast %parallel_loop3A_334 : i32 to index
        %parallel_loop3A_340 = arith.constant 64 : index
        %parallel_loop3A_341 = tpu.vector_load %arg10[%parallel_loop3A_339, %parallel_loop3A_340] {strides = array<i32>} : memref<256x128xf32, #tpu.memory_space<vmem>>, vector<1x16xf32>,
        %parallel_loop3A_342 = vector.shape_cast %parallel_loop3A_341 : vector<1x16xf32> to vector<16xf32>
        %parallel_loop3A_343 = arith.index_cast %parallel_loop3A_334 : i32 to index
        %parallel_loop3A_344 = arith.constant 64 : index
        %parallel_loop3A_345 = tpu.vector_load %arg11[%parallel_loop3A_343, %parallel_loop3A_344] {strides = array<i32>} : memref<256x128xf32, #tpu.memory_space<vmem>>, vector<1x16xf32>,
        %parallel_loop3A_346 = vector.shape_cast %parallel_loop3A_345 : vector<1x16xf32> to vector<16xf32>
        %parallel_loop3A_347 = arith.constant 1.000000e+00 : f32
        %parallel_loop3A_348 = vector.broadcast %parallel_loop3A_347 : f32 to vector<16xf32>
        %parallel_loop3A_349 = arith.mulf %parallel_loop3A_342, %parallel_loop3A_342 : vector<16xf32>
        %parallel_loop3A_350 = arith.addf %parallel_loop3A_342, %parallel_loop3A_349 : vector<16xf32>
        %parallel_loop3A_351 = arith.divf %parallel_loop3A_348, %parallel_loop3A_350 : vector<16xf32>
        %parallel_loop3A_352 = arith.mulf %parallel_loop3A_351, %parallel_loop3A_342 : vector<16xf32>
        %parallel_loop3A_353 = arith.addf %parallel_loop3A_351, %parallel_loop3A_352 : vector<16xf32>
        %parallel_loop3A_354 = arith.subf %parallel_loop3A_346, %parallel_loop3A_338 : vector<16xf32>
        %parallel_loop3A_355 = arith.mulf %parallel_loop3A_354, %parallel_loop3A_353 : vector<16xf32>
        %parallel_loop3A_356 = arith.constant 1.000000e+00 : f32
        %parallel_loop3A_357 = vector.broadcast %parallel_loop3A_356 : f32 to vector<16xf32>
        %parallel_loop3A_358 = arith.subf %parallel_loop3A_357, %parallel_loop3A_342 : vector<16xf32>
        %parallel_loop3A_359 = arith.mulf %parallel_loop3A_351, %parallel_loop3A_342 : vector<16xf32>
        %parallel_loop3A_360 = arith.mulf %parallel_loop3A_358, %parallel_loop3A_359 : vector<16xf32>
        %parallel_loop3A_361 = arith.mulf %parallel_loop3A_360, %parallel_loop3A_360 : vector<16xf32>
        %parallel_loop3A_362 = vector.broadcast %scan3A : f32 to vector<16xf32>
        %parallel_loop3A_363 = arith.mulf %parallel_loop3A_361, %parallel_loop3A_362 : vector<16xf32>
        %parallel_loop3A_364 = vector.broadcast %scan3A_17 : f32 to vector<16xf32>
        %parallel_loop3A_365 = arith.addf %parallel_loop3A_364, %parallel_loop3A_363 : vector<16xf32>
        %parallel_loop3A_366 = arith.mulf %parallel_loop3A_361, %parallel_loop3A_365 : vector<16xf32>
        %parallel_loop3A_367 = vector.broadcast %scan3A_18 : f32 to vector<16xf32>
        %parallel_loop3A_368 = arith.addf %parallel_loop3A_367, %parallel_loop3A_366 : vector<16xf32>
        %parallel_loop3A_369 = arith.mulf %parallel_loop3A_361, %parallel_loop3A_368 : vector<16xf32>
        %parallel_loop3A_370 = vector.broadcast %scan3A_19 : f32 to vector<16xf32>
        %parallel_loop3A_371 = arith.addf %parallel_loop3A_370, %parallel_loop3A_369 : vector<16xf32>
        %parallel_loop3A_372 = arith.mulf %parallel_loop3A_360, %parallel_loop3A_371 : vector<16xf32>
        %parallel_loop3A_373 = arith.constant 0.000000e+00 : f32
        %parallel_loop3A_374 = vector.broadcast %parallel_loop3A_373 : f32 to vector<16xf32>
        %parallel_loop3A_375 = arith.subf %parallel_loop3A_374, %parallel_loop3A_372 : vector<16xf32>
        %parallel_loop3A_376 = arith.mulf %parallel_loop3A_355, %parallel_loop3A_355 : vector<16xf32>
        %parallel_loop3A_377 = vector.broadcast %scan3A_20 : f32 to vector<16xf32>
        %parallel_loop3A_378 = arith.mulf %parallel_loop3A_377, %parallel_loop3A_376 : vector<16xf32>
        %parallel_loop3A_379 = arith.subf %parallel_loop3A_378, %parallel_loop3A_375 : vector<16xf32>
        %parallel_loop3A_380 = vector.extract_strided_slice %parallel_loop3A_113 {offsets = [4], sizes = [1], strides = [1]} : vector<16xf32> to vector<1xf32>
        %parallel_loop3A_381 = vector.extract %parallel_loop3A_380[0] : f32 from vector<1xf32>
        %parallel_loop3A_382 = vector.broadcast %parallel_loop3A_381 : f32 to vector<16xf32>
        %parallel_loop3A_383 = arith.mulf %parallel_loop3A_382, %parallel_loop3A_379 : vector<16xf32>
        %parallel_loop3A_384 = arith.addf %parallel_loop3A_168, %parallel_loop3A_383 : vector<16xf32>
        %parallel_loop3A_385 = arith.constant 2 : i32
        %parallel_loop3A_386 = arith.muli %parallel_loop3A_385, %parallel_loop3A_73 : i32
        %parallel_loop3A_387 = arith.constant 0 : i32
        %parallel_loop3A_388 = arith.addi %parallel_loop3A_386, %parallel_loop3A_387 : i32
        %parallel_loop3A_389 = arith.index_cast %parallel_loop3A_388 : i32 to index
        %parallel_loop3A_390 = arith.constant 80 : index
        %parallel_loop3A_391 = tpu.vector_load %arg9[%parallel_loop3A_389, %parallel_loop3A_390] {strides = array<i32>} : memref<256x128xf32, #tpu.memory_space<vmem>>, vector<1x16xf32>,
        %parallel_loop3A_392 = vector.shape_cast %parallel_loop3A_391 : vector<1x16xf32> to vector<16xf32>
        %parallel_loop3A_393 = arith.index_cast %parallel_loop3A_388 : i32 to index
        %parallel_loop3A_394 = arith.constant 80 : index
        %parallel_loop3A_395 = tpu.vector_load %arg10[%parallel_loop3A_393, %parallel_loop3A_394] {strides = array<i32>} : memref<256x128xf32, #tpu.memory_space<vmem>>, vector<1x16xf32>,
        %parallel_loop3A_396 = vector.shape_cast %parallel_loop3A_395 : vector<1x16xf32> to vector<16xf32>
        %parallel_loop3A_397 = arith.index_cast %parallel_loop3A_388 : i32 to index
        %parallel_loop3A_398 = arith.constant 80 : index
        %parallel_loop3A_399 = tpu.vector_load %arg11[%parallel_loop3A_397, %parallel_loop3A_398] {strides = array<i32>} : memref<256x128xf32, #tpu.memory_space<vmem>>, vector<1x16xf32>,
        %parallel_loop3A_400 = vector.shape_cast %parallel_loop3A_399 : vector<1x16xf32> to vector<16xf32>
        %parallel_loop3A_401 = arith.constant 1.000000e+00 : f32
        %parallel_loop3A_402 = vector.broadcast %parallel_loop3A_401 : f32 to vector<16xf32>
        %parallel_loop3A_403 = arith.mulf %parallel_loop3A_396, %parallel_loop3A_396 : vector<16xf32>
        %parallel_loop3A_404 = arith.addf %parallel_loop3A_396, %parallel_loop3A_403 : vector<16xf32>
        %parallel_loop3A_405 = arith.divf %parallel_loop3A_402, %parallel_loop3A_404 : vector<16xf32>
        %parallel_loop3A_406 = arith.mulf %parallel_loop3A_405, %parallel_loop3A_396 : vector<16xf32>
        %parallel_loop3A_407 = arith.addf %parallel_loop3A_405, %parallel_loop3A_406 : vector<16xf32>
        %parallel_loop3A_408 = arith.subf %parallel_loop3A_400, %parallel_loop3A_392 : vector<16xf32>
        %parallel_loop3A_409 = arith.mulf %parallel_loop3A_408, %parallel_loop3A_407 : vector<16xf32>
        %parallel_loop3A_410 = arith.constant 1.000000e+00 : f32
        %parallel_loop3A_411 = vector.broadcast %parallel_loop3A_410 : f32 to vector<16xf32>
        %parallel_loop3A_412 = arith.subf %parallel_loop3A_411, %parallel_loop3A_396 : vector<16xf32>
        %parallel_loop3A_413 = arith.mulf %parallel_loop3A_405, %parallel_loop3A_396 : vector<16xf32>
        %parallel_loop3A_414 = arith.mulf %parallel_loop3A_412, %parallel_loop3A_413 : vector<16xf32>
        %parallel_loop3A_415 = arith.mulf %parallel_loop3A_414, %parallel_loop3A_414 : vector<16xf32>
        %parallel_loop3A_416 = vector.broadcast %scan3A : f32 to vector<16xf32>
        %parallel_loop3A_417 = arith.mulf %parallel_loop3A_415, %parallel_loop3A_416 : vector<16xf32>
        %parallel_loop3A_418 = vector.broadcast %scan3A_17 : f32 to vector<16xf32>
        %parallel_loop3A_419 = arith.addf %parallel_loop3A_418, %parallel_loop3A_417 : vector<16xf32>
        %parallel_loop3A_420 = arith.mulf %parallel_loop3A_415, %parallel_loop3A_419 : vector<16xf32>
        %parallel_loop3A_421 = vector.broadcast %scan3A_18 : f32 to vector<16xf32>
        %parallel_loop3A_422 = arith.addf %parallel_loop3A_421, %parallel_loop3A_420 : vector<16xf32>
        %parallel_loop3A_423 = arith.mulf %parallel_loop3A_415, %parallel_loop3A_422 : vector<16xf32>
        %parallel_loop3A_424 = vector.broadcast %scan3A_19 : f32 to vector<16xf32>
        %parallel_loop3A_425 = arith.addf %parallel_loop3A_424, %parallel_loop3A_423 : vector<16xf32>
        %parallel_loop3A_426 = arith.mulf %parallel_loop3A_414, %parallel_loop3A_425 : vector<16xf32>
        %parallel_loop3A_427 = arith.constant 0.000000e+00 : f32
        %parallel_loop3A_428 = vector.broadcast %parallel_loop3A_427 : f32 to vector<16xf32>
        %parallel_loop3A_429 = arith.subf %parallel_loop3A_428, %parallel_loop3A_426 : vector<16xf32>
        %parallel_loop3A_430 = arith.mulf %parallel_loop3A_409, %parallel_loop3A_409 : vector<16xf32>
        %parallel_loop3A_431 = vector.broadcast %scan3A_20 : f32 to vector<16xf32>
        %parallel_loop3A_432 = arith.mulf %parallel_loop3A_431, %parallel_loop3A_430 : vector<16xf32>
        %parallel_loop3A_433 = arith.subf %parallel_loop3A_432, %parallel_loop3A_429 : vector<16xf32>
        %parallel_loop3A_434 = vector.extract_strided_slice %parallel_loop3A_113 {offsets = [5], sizes = [1], strides = [1]} : vector<16xf32> to vector<1xf32>
        %parallel_loop3A_435 = vector.extract %parallel_loop3A_434[0] : f32 from vector<1xf32>
        %parallel_loop3A_436 = vector.broadcast %parallel_loop3A_435 : f32 to vector<16xf32>
        %parallel_loop3A_437 = arith.mulf %parallel_loop3A_436, %parallel_loop3A_433 : vector<16xf32>
        %parallel_loop3A_438 = arith.addf %parallel_loop3A_222, %parallel_loop3A_437 : vector<16xf32>
        %parallel_loop3A_439 = arith.constant 2 : i32
        %parallel_loop3A_440 = arith.muli %parallel_loop3A_439, %parallel_loop3A_73 : i32
        %parallel_loop3A_441 = arith.constant 0 : i32
        %parallel_loop3A_442 = arith.addi %parallel_loop3A_440, %parallel_loop3A_441 : i32
        %parallel_loop3A_443 = arith.index_cast %parallel_loop3A_442 : i32 to index
        %parallel_loop3A_444 = arith.constant 96 : index
        %parallel_loop3A_445 = tpu.vector_load %arg9[%parallel_loop3A_443, %parallel_loop3A_444] {strides = array<i32>} : memref<256x128xf32, #tpu.memory_space<vmem>>, vector<1x16xf32>,
        %parallel_loop3A_446 = vector.shape_cast %parallel_loop3A_445 : vector<1x16xf32> to vector<16xf32>
        %parallel_loop3A_447 = arith.index_cast %parallel_loop3A_442 : i32 to index
        %parallel_loop3A_448 = arith.constant 96 : index
        %parallel_loop3A_449 = tpu.vector_load %arg10[%parallel_loop3A_447, %parallel_loop3A_448] {strides = array<i32>} : memref<256x128xf32, #tpu.memory_space<vmem>>, vector<1x16xf32>,
        %parallel_loop3A_450 = vector.shape_cast %parallel_loop3A_449 : vector<1x16xf32> to vector<16xf32>
        %parallel_loop3A_451 = arith.index_cast %parallel_loop3A_442 : i32 to index
        %parallel_loop3A_452 = arith.constant 96 : index
        %parallel_loop3A_453 = tpu.vector_load %arg11[%parallel_loop3A_451, %parallel_loop3A_452] {strides = array<i32>} : memref<256x128xf32, #tpu.memory_space<vmem>>, vector<1x16xf32>,
        %parallel_loop3A_454 = vector.shape_cast %parallel_loop3A_453 : vector<1x16xf32> to vector<16xf32>
        %parallel_loop3A_455 = arith.constant 1.000000e+00 : f32
        %parallel_loop3A_456 = vector.broadcast %parallel_loop3A_455 : f32 to vector<16xf32>
        %parallel_loop3A_457 = arith.mulf %parallel_loop3A_450, %parallel_loop3A_450 : vector<16xf32>
        %parallel_loop3A_458 = arith.addf %parallel_loop3A_450, %parallel_loop3A_457 : vector<16xf32>
        %parallel_loop3A_459 = arith.divf %parallel_loop3A_456, %parallel_loop3A_458 : vector<16xf32>
        %parallel_loop3A_460 = arith.mulf %parallel_loop3A_459, %parallel_loop3A_450 : vector<16xf32>
        %parallel_loop3A_461 = arith.addf %parallel_loop3A_459, %parallel_loop3A_460 : vector<16xf32>
        %parallel_loop3A_462 = arith.subf %parallel_loop3A_454, %parallel_loop3A_446 : vector<16xf32>
        %parallel_loop3A_463 = arith.mulf %parallel_loop3A_462, %parallel_loop3A_461 : vector<16xf32>
        %parallel_loop3A_464 = arith.constant 1.000000e+00 : f32
        %parallel_loop3A_465 = vector.broadcast %parallel_loop3A_464 : f32 to vector<16xf32>
        %parallel_loop3A_466 = arith.subf %parallel_loop3A_465, %parallel_loop3A_450 : vector<16xf32>
        %parallel_loop3A_467 = arith.mulf %parallel_loop3A_459, %parallel_loop3A_450 : vector<16xf32>
        %parallel_loop3A_468 = arith.mulf %parallel_loop3A_466, %parallel_loop3A_467 : vector<16xf32>
        %parallel_loop3A_469 = arith.mulf %parallel_loop3A_468, %parallel_loop3A_468 : vector<16xf32>
        %parallel_loop3A_470 = vector.broadcast %scan3A : f32 to vector<16xf32>
        %parallel_loop3A_471 = arith.mulf %parallel_loop3A_469, %parallel_loop3A_470 : vector<16xf32>
        %parallel_loop3A_472 = vector.broadcast %scan3A_17 : f32 to vector<16xf32>
        %parallel_loop3A_473 = arith.addf %parallel_loop3A_472, %parallel_loop3A_471 : vector<16xf32>
        %parallel_loop3A_474 = arith.mulf %parallel_loop3A_469, %parallel_loop3A_473 : vector<16xf32>
        %parallel_loop3A_475 = vector.broadcast %scan3A_18 : f32 to vector<16xf32>
        %parallel_loop3A_476 = arith.addf %parallel_loop3A_475, %parallel_loop3A_474 : vector<16xf32>
        %parallel_loop3A_477 = arith.mulf %parallel_loop3A_469, %parallel_loop3A_476 : vector<16xf32>
        %parallel_loop3A_478 = vector.broadcast %scan3A_19 : f32 to vector<16xf32>
        %parallel_loop3A_479 = arith.addf %parallel_loop3A_478, %parallel_loop3A_477 : vector<16xf32>
        %parallel_loop3A_480 = arith.mulf %parallel_loop3A_468, %parallel_loop3A_479 : vector<16xf32>
        %parallel_loop3A_481 = arith.constant 0.000000e+00 : f32
        %parallel_loop3A_482 = vector.broadcast %parallel_loop3A_481 : f32 to vector<16xf32>
        %parallel_loop3A_483 = arith.subf %parallel_loop3A_482, %parallel_loop3A_480 : vector<16xf32>
        %parallel_loop3A_484 = arith.mulf %parallel_loop3A_463, %parallel_loop3A_463 : vector<16xf32>
        %parallel_loop3A_485 = vector.broadcast %scan3A_20 : f32 to vector<16xf32>
        %parallel_loop3A_486 = arith.mulf %parallel_loop3A_485, %parallel_loop3A_484 : vector<16xf32>
        %parallel_loop3A_487 = arith.subf %parallel_loop3A_486, %parallel_loop3A_483 : vector<16xf32>
        %parallel_loop3A_488 = vector.extract_strided_slice %parallel_loop3A_113 {offsets = [6], sizes = [1], strides = [1]} : vector<16xf32> to vector<1xf32>
        %parallel_loop3A_489 = vector.extract %parallel_loop3A_488[0] : f32 from vector<1xf32>
        %parallel_loop3A_490 = vector.broadcast %parallel_loop3A_489 : f32 to vector<16xf32>
        %parallel_loop3A_491 = arith.mulf %parallel_loop3A_490, %parallel_loop3A_487 : vector<16xf32>
        %parallel_loop3A_492 = arith.addf %parallel_loop3A_276, %parallel_loop3A_491 : vector<16xf32>
        %parallel_loop3A_493 = arith.constant 2 : i32
        %parallel_loop3A_494 = arith.muli %parallel_loop3A_493, %parallel_loop3A_73 : i32
        %parallel_loop3A_495 = arith.constant 0 : i32
        %parallel_loop3A_496 = arith.addi %parallel_loop3A_494, %parallel_loop3A_495 : i32
        %parallel_loop3A_497 = arith.index_cast %parallel_loop3A_496 : i32 to index
        %parallel_loop3A_498 = arith.constant 112 : index
        %parallel_loop3A_499 = tpu.vector_load %arg9[%parallel_loop3A_497, %parallel_loop3A_498] {strides = array<i32>} : memref<256x128xf32, #tpu.memory_space<vmem>>, vector<1x16xf32>,
        %parallel_loop3A_500 = vector.shape_cast %parallel_loop3A_499 : vector<1x16xf32> to vector<16xf32>
        %parallel_loop3A_501 = arith.index_cast %parallel_loop3A_496 : i32 to index
        %parallel_loop3A_502 = arith.constant 112 : index
        %parallel_loop3A_503 = tpu.vector_load %arg10[%parallel_loop3A_501, %parallel_loop3A_502] {strides = array<i32>} : memref<256x128xf32, #tpu.memory_space<vmem>>, vector<1x16xf32>,
        %parallel_loop3A_504 = vector.shape_cast %parallel_loop3A_503 : vector<1x16xf32> to vector<16xf32>
        %parallel_loop3A_505 = arith.index_cast %parallel_loop3A_496 : i32 to index
        %parallel_loop3A_506 = arith.constant 112 : index
        %parallel_loop3A_507 = tpu.vector_load %arg11[%parallel_loop3A_505, %parallel_loop3A_506] {strides = array<i32>} : memref<256x128xf32, #tpu.memory_space<vmem>>, vector<1x16xf32>,
        %parallel_loop3A_508 = vector.shape_cast %parallel_loop3A_507 : vector<1x16xf32> to vector<16xf32>
        %parallel_loop3A_509 = arith.constant 1.000000e+00 : f32
        %parallel_loop3A_510 = vector.broadcast %parallel_loop3A_509 : f32 to vector<16xf32>
        %parallel_loop3A_511 = arith.mulf %parallel_loop3A_504, %parallel_loop3A_504 : vector<16xf32>
        %parallel_loop3A_512 = arith.addf %parallel_loop3A_504, %parallel_loop3A_511 : vector<16xf32>
        %parallel_loop3A_513 = arith.divf %parallel_loop3A_510, %parallel_loop3A_512 : vector<16xf32>
        %parallel_loop3A_514 = arith.mulf %parallel_loop3A_513, %parallel_loop3A_504 : vector<16xf32>
        %parallel_loop3A_515 = arith.addf %parallel_loop3A_513, %parallel_loop3A_514 : vector<16xf32>
        %parallel_loop3A_516 = arith.subf %parallel_loop3A_508, %parallel_loop3A_500 : vector<16xf32>
        %parallel_loop3A_517 = arith.mulf %parallel_loop3A_516, %parallel_loop3A_515 : vector<16xf32>
        %parallel_loop3A_518 = arith.constant 1.000000e+00 : f32
        %parallel_loop3A_519 = vector.broadcast %parallel_loop3A_518 : f32 to vector<16xf32>
        %parallel_loop3A_520 = arith.subf %parallel_loop3A_519, %parallel_loop3A_504 : vector<16xf32>
        %parallel_loop3A_521 = arith.mulf %parallel_loop3A_513, %parallel_loop3A_504 : vector<16xf32>
        %parallel_loop3A_522 = arith.mulf %parallel_loop3A_520, %parallel_loop3A_521 : vector<16xf32>
        %parallel_loop3A_523 = arith.mulf %parallel_loop3A_522, %parallel_loop3A_522 : vector<16xf32>
        %parallel_loop3A_524 = vector.broadcast %scan3A : f32 to vector<16xf32>
        %parallel_loop3A_525 = arith.mulf %parallel_loop3A_523, %parallel_loop3A_524 : vector<16xf32>
        %parallel_loop3A_526 = vector.broadcast %scan3A_17 : f32 to vector<16xf32>
        %parallel_loop3A_527 = arith.addf %parallel_loop3A_526, %parallel_loop3A_525 : vector<16xf32>
        %parallel_loop3A_528 = arith.mulf %parallel_loop3A_523, %parallel_loop3A_527 : vector<16xf32>
        %parallel_loop3A_529 = vector.broadcast %scan3A_18 : f32 to vector<16xf32>
        %parallel_loop3A_530 = arith.addf %parallel_loop3A_529, %parallel_loop3A_528 : vector<16xf32>
        %parallel_loop3A_531 = arith.mulf %parallel_loop3A_523, %parallel_loop3A_530 : vector<16xf32>
        %parallel_loop3A_532 = vector.broadcast %scan3A_19 : f32 to vector<16xf32>
        %parallel_loop3A_533 = arith.addf %parallel_loop3A_532, %parallel_loop3A_531 : vector<16xf32>
        %parallel_loop3A_534 = arith.mulf %parallel_loop3A_522, %parallel_loop3A_533 : vector<16xf32>
        %parallel_loop3A_535 = arith.constant 0.000000e+00 : f32
        %parallel_loop3A_536 = vector.broadcast %parallel_loop3A_535 : f32 to vector<16xf32>
        %parallel_loop3A_537 = arith.subf %parallel_loop3A_536, %parallel_loop3A_534 : vector<16xf32>
        %parallel_loop3A_538 = arith.mulf %parallel_loop3A_517, %parallel_loop3A_517 : vector<16xf32>
        %parallel_loop3A_539 = vector.broadcast %scan3A_20 : f32 to vector<16xf32>
        %parallel_loop3A_540 = arith.mulf %parallel_loop3A_539, %parallel_loop3A_538 : vector<16xf32>
        %parallel_loop3A_541 = arith.subf %parallel_loop3A_540, %parallel_loop3A_537 : vector<16xf32>
        %parallel_loop3A_542 = vector.extract_strided_slice %parallel_loop3A_113 {offsets = [7], sizes = [1], strides = [1]} : vector<16xf32> to vector<1xf32>
        %parallel_loop3A_543 = vector.extract %parallel_loop3A_542[0] : f32 from vector<1xf32>
        %parallel_loop3A_544 = vector.broadcast %parallel_loop3A_543 : f32 to vector<16xf32>
        %parallel_loop3A_545 = arith.mulf %parallel_loop3A_544, %parallel_loop3A_541 : vector<16xf32>
        %parallel_loop3A_546 = arith.addf %parallel_loop3A_330, %parallel_loop3A_545 : vector<16xf32>
        %parallel_loop3A_547 = arith.constant 2 : i32
        %parallel_loop3A_548 = arith.muli %parallel_loop3A_547, %parallel_loop3A_73 : i32
        %parallel_loop3A_549 = arith.constant 1 : i32
        %parallel_loop3A_550 = arith.addi %parallel_loop3A_548, %parallel_loop3A_549 : i32
        %parallel_loop3A_551 = arith.index_cast %parallel_loop3A_550 : i32 to index
        %parallel_loop3A_552 = arith.constant 0 : index
        %parallel_loop3A_553 = tpu.vector_load %arg9[%parallel_loop3A_551, %parallel_loop3A_552] {strides = array<i32>} : memref<256x128xf32, #tpu.memory_space<vmem>>, vector<1x16xf32>,
        %parallel_loop3A_554 = vector.shape_cast %parallel_loop3A_553 : vector<1x16xf32> to vector<16xf32>
        %parallel_loop3A_555 = arith.index_cast %parallel_loop3A_550 : i32 to index
        %parallel_loop3A_556 = arith.constant 0 : index
        %parallel_loop3A_557 = tpu.vector_load %arg10[%parallel_loop3A_555, %parallel_loop3A_556] {strides = array<i32>} : memref<256x128xf32, #tpu.memory_space<vmem>>, vector<1x16xf32>,
        %parallel_loop3A_558 = vector.shape_cast %parallel_loop3A_557 : vector<1x16xf32> to vector<16xf32>
        %parallel_loop3A_559 = arith.index_cast %parallel_loop3A_550 : i32 to index
        %parallel_loop3A_560 = arith.constant 0 : index
        %parallel_loop3A_561 = tpu.vector_load %arg11[%parallel_loop3A_559, %parallel_loop3A_560] {strides = array<i32>} : memref<256x128xf32, #tpu.memory_space<vmem>>, vector<1x16xf32>,
        %parallel_loop3A_562 = vector.shape_cast %parallel_loop3A_561 : vector<1x16xf32> to vector<16xf32>
        %parallel_loop3A_563 = arith.constant 1.000000e+00 : f32
        %parallel_loop3A_564 = vector.broadcast %parallel_loop3A_563 : f32 to vector<16xf32>
        %parallel_loop3A_565 = arith.mulf %parallel_loop3A_558, %parallel_loop3A_558 : vector<16xf32>
        %parallel_loop3A_566 = arith.addf %parallel_loop3A_558, %parallel_loop3A_565 : vector<16xf32>
        %parallel_loop3A_567 = arith.divf %parallel_loop3A_564, %parallel_loop3A_566 : vector<16xf32>
        %parallel_loop3A_568 = arith.mulf %parallel_loop3A_567, %parallel_loop3A_558 : vector<16xf32>
        %parallel_loop3A_569 = arith.addf %parallel_loop3A_567, %parallel_loop3A_568 : vector<16xf32>
        %parallel_loop3A_570 = arith.subf %parallel_loop3A_562, %parallel_loop3A_554 : vector<16xf32>
        %parallel_loop3A_571 = arith.mulf %parallel_loop3A_570, %parallel_loop3A_569 : vector<16xf32>
        %parallel_loop3A_572 = arith.constant 1.000000e+00 : f32
        %parallel_loop3A_573 = vector.broadcast %parallel_loop3A_572 : f32 to vector<16xf32>
        %parallel_loop3A_574 = arith.subf %parallel_loop3A_573, %parallel_loop3A_558 : vector<16xf32>
        %parallel_loop3A_575 = arith.mulf %parallel_loop3A_567, %parallel_loop3A_558 : vector<16xf32>
        %parallel_loop3A_576 = arith.mulf %parallel_loop3A_574, %parallel_loop3A_575 : vector<16xf32>
        %parallel_loop3A_577 = arith.mulf %parallel_loop3A_576, %parallel_loop3A_576 : vector<16xf32>
        %parallel_loop3A_578 = vector.broadcast %scan3A : f32 to vector<16xf32>
        %parallel_loop3A_579 = arith.mulf %parallel_loop3A_577, %parallel_loop3A_578 : vector<16xf32>
        %parallel_loop3A_580 = vector.broadcast %scan3A_17 : f32 to vector<16xf32>
        %parallel_loop3A_581 = arith.addf %parallel_loop3A_580, %parallel_loop3A_579 : vector<16xf32>
        %parallel_loop3A_582 = arith.mulf %parallel_loop3A_577, %parallel_loop3A_581 : vector<16xf32>
        %parallel_loop3A_583 = vector.broadcast %scan3A_18 : f32 to vector<16xf32>
        %parallel_loop3A_584 = arith.addf %parallel_loop3A_583, %parallel_loop3A_582 : vector<16xf32>
        %parallel_loop3A_585 = arith.mulf %parallel_loop3A_577, %parallel_loop3A_584 : vector<16xf32>
        %parallel_loop3A_586 = vector.broadcast %scan3A_19 : f32 to vector<16xf32>
        %parallel_loop3A_587 = arith.addf %parallel_loop3A_586, %parallel_loop3A_585 : vector<16xf32>
        %parallel_loop3A_588 = arith.mulf %parallel_loop3A_576, %parallel_loop3A_587 : vector<16xf32>
        %parallel_loop3A_589 = arith.constant 0.000000e+00 : f32
        %parallel_loop3A_590 = vector.broadcast %parallel_loop3A_589 : f32 to vector<16xf32>
        %parallel_loop3A_591 = arith.subf %parallel_loop3A_590, %parallel_loop3A_588 : vector<16xf32>
        %parallel_loop3A_592 = arith.mulf %parallel_loop3A_571, %parallel_loop3A_571 : vector<16xf32>
        %parallel_loop3A_593 = vector.broadcast %scan3A_20 : f32 to vector<16xf32>
        %parallel_loop3A_594 = arith.mulf %parallel_loop3A_593, %parallel_loop3A_592 : vector<16xf32>
        %parallel_loop3A_595 = arith.subf %parallel_loop3A_594, %parallel_loop3A_591 : vector<16xf32>
        %parallel_loop3A_596 = vector.extract_strided_slice %parallel_loop3A_113 {offsets = [8], sizes = [1], strides = [1]} : vector<16xf32> to vector<1xf32>
        %parallel_loop3A_597 = vector.extract %parallel_loop3A_596[0] : f32 from vector<1xf32>
        %parallel_loop3A_598 = vector.broadcast %parallel_loop3A_597 : f32 to vector<16xf32>
        %parallel_loop3A_599 = arith.mulf %parallel_loop3A_598, %parallel_loop3A_595 : vector<16xf32>
        %parallel_loop3A_600 = arith.addf %parallel_loop3A_384, %parallel_loop3A_599 : vector<16xf32>
        %parallel_loop3A_601 = arith.constant 2 : i32
        %parallel_loop3A_602 = arith.muli %parallel_loop3A_601, %parallel_loop3A_73 : i32
        %parallel_loop3A_603 = arith.constant 1 : i32
        %parallel_loop3A_604 = arith.addi %parallel_loop3A_602, %parallel_loop3A_603 : i32
        %parallel_loop3A_605 = arith.index_cast %parallel_loop3A_604 : i32 to index
        %parallel_loop3A_606 = arith.constant 16 : index
        %parallel_loop3A_607 = tpu.vector_load %arg9[%parallel_loop3A_605, %parallel_loop3A_606] {strides = array<i32>} : memref<256x128xf32, #tpu.memory_space<vmem>>, vector<1x16xf32>,
        %parallel_loop3A_608 = vector.shape_cast %parallel_loop3A_607 : vector<1x16xf32> to vector<16xf32>
        %parallel_loop3A_609 = arith.index_cast %parallel_loop3A_604 : i32 to index
        %parallel_loop3A_610 = arith.constant 16 : index
        %parallel_loop3A_611 = tpu.vector_load %arg10[%parallel_loop3A_609, %parallel_loop3A_610] {strides = array<i32>} : memref<256x128xf32, #tpu.memory_space<vmem>>, vector<1x16xf32>,
        %parallel_loop3A_612 = vector.shape_cast %parallel_loop3A_611 : vector<1x16xf32> to vector<16xf32>
        %parallel_loop3A_613 = arith.index_cast %parallel_loop3A_604 : i32 to index
        %parallel_loop3A_614 = arith.constant 16 : index
        %parallel_loop3A_615 = tpu.vector_load %arg11[%parallel_loop3A_613, %parallel_loop3A_614] {strides = array<i32>} : memref<256x128xf32, #tpu.memory_space<vmem>>, vector<1x16xf32>,
        %parallel_loop3A_616 = vector.shape_cast %parallel_loop3A_615 : vector<1x16xf32> to vector<16xf32>
        %parallel_loop3A_617 = arith.constant 1.000000e+00 : f32
        %parallel_loop3A_618 = vector.broadcast %parallel_loop3A_617 : f32 to vector<16xf32>
        %parallel_loop3A_619 = arith.mulf %parallel_loop3A_612, %parallel_loop3A_612 : vector<16xf32>
        %parallel_loop3A_620 = arith.addf %parallel_loop3A_612, %parallel_loop3A_619 : vector<16xf32>
        %parallel_loop3A_621 = arith.divf %parallel_loop3A_618, %parallel_loop3A_620 : vector<16xf32>
        %parallel_loop3A_622 = arith.mulf %parallel_loop3A_621, %parallel_loop3A_612 : vector<16xf32>
        %parallel_loop3A_623 = arith.addf %parallel_loop3A_621, %parallel_loop3A_622 : vector<16xf32>
        %parallel_loop3A_624 = arith.subf %parallel_loop3A_616, %parallel_loop3A_608 : vector<16xf32>
        %parallel_loop3A_625 = arith.mulf %parallel_loop3A_624, %parallel_loop3A_623 : vector<16xf32>
        %parallel_loop3A_626 = arith.constant 1.000000e+00 : f32
        %parallel_loop3A_627 = vector.broadcast %parallel_loop3A_626 : f32 to vector<16xf32>
        %parallel_loop3A_628 = arith.subf %parallel_loop3A_627, %parallel_loop3A_612 : vector<16xf32>
        %parallel_loop3A_629 = arith.mulf %parallel_loop3A_621, %parallel_loop3A_612 : vector<16xf32>
        %parallel_loop3A_630 = arith.mulf %parallel_loop3A_628, %parallel_loop3A_629 : vector<16xf32>
        %parallel_loop3A_631 = arith.mulf %parallel_loop3A_630, %parallel_loop3A_630 : vector<16xf32>
        %parallel_loop3A_632 = vector.broadcast %scan3A : f32 to vector<16xf32>
        %parallel_loop3A_633 = arith.mulf %parallel_loop3A_631, %parallel_loop3A_632 : vector<16xf32>
        %parallel_loop3A_634 = vector.broadcast %scan3A_17 : f32 to vector<16xf32>
        %parallel_loop3A_635 = arith.addf %parallel_loop3A_634, %parallel_loop3A_633 : vector<16xf32>
        %parallel_loop3A_636 = arith.mulf %parallel_loop3A_631, %parallel_loop3A_635 : vector<16xf32>
        %parallel_loop3A_637 = vector.broadcast %scan3A_18 : f32 to vector<16xf32>
        %parallel_loop3A_638 = arith.addf %parallel_loop3A_637, %parallel_loop3A_636 : vector<16xf32>
        %parallel_loop3A_639 = arith.mulf %parallel_loop3A_631, %parallel_loop3A_638 : vector<16xf32>
        %parallel_loop3A_640 = vector.broadcast %scan3A_19 : f32 to vector<16xf32>
        %parallel_loop3A_641 = arith.addf %parallel_loop3A_640, %parallel_loop3A_639 : vector<16xf32>
        %parallel_loop3A_642 = arith.mulf %parallel_loop3A_630, %parallel_loop3A_641 : vector<16xf32>
        %parallel_loop3A_643 = arith.constant 0.000000e+00 : f32
        %parallel_loop3A_644 = vector.broadcast %parallel_loop3A_643 : f32 to vector<16xf32>
        %parallel_loop3A_645 = arith.subf %parallel_loop3A_644, %parallel_loop3A_642 : vector<16xf32>
        %parallel_loop3A_646 = arith.mulf %parallel_loop3A_625, %parallel_loop3A_625 : vector<16xf32>
        %parallel_loop3A_647 = vector.broadcast %scan3A_20 : f32 to vector<16xf32>
        %parallel_loop3A_648 = arith.mulf %parallel_loop3A_647, %parallel_loop3A_646 : vector<16xf32>
        %parallel_loop3A_649 = arith.subf %parallel_loop3A_648, %parallel_loop3A_645 : vector<16xf32>
        %parallel_loop3A_650 = vector.extract_strided_slice %parallel_loop3A_113 {offsets = [9], sizes = [1], strides = [1]} : vector<16xf32> to vector<1xf32>
        %parallel_loop3A_651 = vector.extract %parallel_loop3A_650[0] : f32 from vector<1xf32>
        %parallel_loop3A_652 = vector.broadcast %parallel_loop3A_651 : f32 to vector<16xf32>
        %parallel_loop3A_653 = arith.mulf %parallel_loop3A_652, %parallel_loop3A_649 : vector<16xf32>
        %parallel_loop3A_654 = arith.addf %parallel_loop3A_438, %parallel_loop3A_653 : vector<16xf32>
        %parallel_loop3A_655 = arith.constant 2 : i32
        %parallel_loop3A_656 = arith.muli %parallel_loop3A_655, %parallel_loop3A_73 : i32
        %parallel_loop3A_657 = arith.constant 1 : i32
        %parallel_loop3A_658 = arith.addi %parallel_loop3A_656, %parallel_loop3A_657 : i32
        %parallel_loop3A_659 = arith.index_cast %parallel_loop3A_658 : i32 to index
        %parallel_loop3A_660 = arith.constant 32 : index
        %parallel_loop3A_661 = tpu.vector_load %arg9[%parallel_loop3A_659, %parallel_loop3A_660] {strides = array<i32>} : memref<256x128xf32, #tpu.memory_space<vmem>>, vector<1x16xf32>,
        %parallel_loop3A_662 = vector.shape_cast %parallel_loop3A_661 : vector<1x16xf32> to vector<16xf32>
        %parallel_loop3A_663 = arith.index_cast %parallel_loop3A_658 : i32 to index
        %parallel_loop3A_664 = arith.constant 32 : index
        %parallel_loop3A_665 = tpu.vector_load %arg10[%parallel_loop3A_663, %parallel_loop3A_664] {strides = array<i32>} : memref<256x128xf32, #tpu.memory_space<vmem>>, vector<1x16xf32>,
        %parallel_loop3A_666 = vector.shape_cast %parallel_loop3A_665 : vector<1x16xf32> to vector<16xf32>
        %parallel_loop3A_667 = arith.index_cast %parallel_loop3A_658 : i32 to index
        %parallel_loop3A_668 = arith.constant 32 : index
        %parallel_loop3A_669 = tpu.vector_load %arg11[%parallel_loop3A_667, %parallel_loop3A_668] {strides = array<i32>} : memref<256x128xf32, #tpu.memory_space<vmem>>, vector<1x16xf32>,
        %parallel_loop3A_670 = vector.shape_cast %parallel_loop3A_669 : vector<1x16xf32> to vector<16xf32>
        %parallel_loop3A_671 = arith.constant 1.000000e+00 : f32
        %parallel_loop3A_672 = vector.broadcast %parallel_loop3A_671 : f32 to vector<16xf32>
        %parallel_loop3A_673 = arith.mulf %parallel_loop3A_666, %parallel_loop3A_666 : vector<16xf32>
        %parallel_loop3A_674 = arith.addf %parallel_loop3A_666, %parallel_loop3A_673 : vector<16xf32>
        %parallel_loop3A_675 = arith.divf %parallel_loop3A_672, %parallel_loop3A_674 : vector<16xf32>
        %parallel_loop3A_676 = arith.mulf %parallel_loop3A_675, %parallel_loop3A_666 : vector<16xf32>
        %parallel_loop3A_677 = arith.addf %parallel_loop3A_675, %parallel_loop3A_676 : vector<16xf32>
        %parallel_loop3A_678 = arith.subf %parallel_loop3A_670, %parallel_loop3A_662 : vector<16xf32>
        %parallel_loop3A_679 = arith.mulf %parallel_loop3A_678, %parallel_loop3A_677 : vector<16xf32>
        %parallel_loop3A_680 = arith.constant 1.000000e+00 : f32
        %parallel_loop3A_681 = vector.broadcast %parallel_loop3A_680 : f32 to vector<16xf32>
        %parallel_loop3A_682 = arith.subf %parallel_loop3A_681, %parallel_loop3A_666 : vector<16xf32>
        %parallel_loop3A_683 = arith.mulf %parallel_loop3A_675, %parallel_loop3A_666 : vector<16xf32>
        %parallel_loop3A_684 = arith.mulf %parallel_loop3A_682, %parallel_loop3A_683 : vector<16xf32>
        %parallel_loop3A_685 = arith.mulf %parallel_loop3A_684, %parallel_loop3A_684 : vector<16xf32>
        %parallel_loop3A_686 = vector.broadcast %scan3A : f32 to vector<16xf32>
        %parallel_loop3A_687 = arith.mulf %parallel_loop3A_685, %parallel_loop3A_686 : vector<16xf32>
        %parallel_loop3A_688 = vector.broadcast %scan3A_17 : f32 to vector<16xf32>
        %parallel_loop3A_689 = arith.addf %parallel_loop3A_688, %parallel_loop3A_687 : vector<16xf32>
        %parallel_loop3A_690 = arith.mulf %parallel_loop3A_685, %parallel_loop3A_689 : vector<16xf32>
        %parallel_loop3A_691 = vector.broadcast %scan3A_18 : f32 to vector<16xf32>
        %parallel_loop3A_692 = arith.addf %parallel_loop3A_691, %parallel_loop3A_690 : vector<16xf32>
        %parallel_loop3A_693 = arith.mulf %parallel_loop3A_685, %parallel_loop3A_692 : vector<16xf32>
        %parallel_loop3A_694 = vector.broadcast %scan3A_19 : f32 to vector<16xf32>
        %parallel_loop3A_695 = arith.addf %parallel_loop3A_694, %parallel_loop3A_693 : vector<16xf32>
        %parallel_loop3A_696 = arith.mulf %parallel_loop3A_684, %parallel_loop3A_695 : vector<16xf32>
        %parallel_loop3A_697 = arith.constant 0.000000e+00 : f32
        %parallel_loop3A_698 = vector.broadcast %parallel_loop3A_697 : f32 to vector<16xf32>
        %parallel_loop3A_699 = arith.subf %parallel_loop3A_698, %parallel_loop3A_696 : vector<16xf32>
        %parallel_loop3A_700 = arith.mulf %parallel_loop3A_679, %parallel_loop3A_679 : vector<16xf32>
        %parallel_loop3A_701 = vector.broadcast %scan3A_20 : f32 to vector<16xf32>
        %parallel_loop3A_702 = arith.mulf %parallel_loop3A_701, %parallel_loop3A_700 : vector<16xf32>
        %parallel_loop3A_703 = arith.subf %parallel_loop3A_702, %parallel_loop3A_699 : vector<16xf32>
        %parallel_loop3A_704 = vector.extract_strided_slice %parallel_loop3A_113 {offsets = [10], sizes = [1], strides = [1]} : vector<16xf32> to vector<1xf32>
        %parallel_loop3A_705 = vector.extract %parallel_loop3A_704[0] : f32 from vector<1xf32>
        %parallel_loop3A_706 = vector.broadcast %parallel_loop3A_705 : f32 to vector<16xf32>
        %parallel_loop3A_707 = arith.mulf %parallel_loop3A_706, %parallel_loop3A_703 : vector<16xf32>
        %parallel_loop3A_708 = arith.addf %parallel_loop3A_492, %parallel_loop3A_707 : vector<16xf32>
        %parallel_loop3A_709 = arith.constant 2 : i32
        %parallel_loop3A_710 = arith.muli %parallel_loop3A_709, %parallel_loop3A_73 : i32
        %parallel_loop3A_711 = arith.constant 1 : i32
        %parallel_loop3A_712 = arith.addi %parallel_loop3A_710, %parallel_loop3A_711 : i32
        %parallel_loop3A_713 = arith.index_cast %parallel_loop3A_712 : i32 to index
        %parallel_loop3A_714 = arith.constant 48 : index
        %parallel_loop3A_715 = tpu.vector_load %arg9[%parallel_loop3A_713, %parallel_loop3A_714] {strides = array<i32>} : memref<256x128xf32, #tpu.memory_space<vmem>>, vector<1x16xf32>,
        %parallel_loop3A_716 = vector.shape_cast %parallel_loop3A_715 : vector<1x16xf32> to vector<16xf32>
        %parallel_loop3A_717 = arith.index_cast %parallel_loop3A_712 : i32 to index
        %parallel_loop3A_718 = arith.constant 48 : index
        %parallel_loop3A_719 = tpu.vector_load %arg10[%parallel_loop3A_717, %parallel_loop3A_718] {strides = array<i32>} : memref<256x128xf32, #tpu.memory_space<vmem>>, vector<1x16xf32>,
        %parallel_loop3A_720 = vector.shape_cast %parallel_loop3A_719 : vector<1x16xf32> to vector<16xf32>
        %parallel_loop3A_721 = arith.index_cast %parallel_loop3A_712 : i32 to index
        %parallel_loop3A_722 = arith.constant 48 : index
        %parallel_loop3A_723 = tpu.vector_load %arg11[%parallel_loop3A_721, %parallel_loop3A_722] {strides = array<i32>} : memref<256x128xf32, #tpu.memory_space<vmem>>, vector<1x16xf32>,
        %parallel_loop3A_724 = vector.shape_cast %parallel_loop3A_723 : vector<1x16xf32> to vector<16xf32>
        %parallel_loop3A_725 = arith.constant 1.000000e+00 : f32
        %parallel_loop3A_726 = vector.broadcast %parallel_loop3A_725 : f32 to vector<16xf32>
        %parallel_loop3A_727 = arith.mulf %parallel_loop3A_720, %parallel_loop3A_720 : vector<16xf32>
        %parallel_loop3A_728 = arith.addf %parallel_loop3A_720, %parallel_loop3A_727 : vector<16xf32>
        %parallel_loop3A_729 = arith.divf %parallel_loop3A_726, %parallel_loop3A_728 : vector<16xf32>
        %parallel_loop3A_730 = arith.mulf %parallel_loop3A_729, %parallel_loop3A_720 : vector<16xf32>
        %parallel_loop3A_731 = arith.addf %parallel_loop3A_729, %parallel_loop3A_730 : vector<16xf32>
        %parallel_loop3A_732 = arith.subf %parallel_loop3A_724, %parallel_loop3A_716 : vector<16xf32>
        %parallel_loop3A_733 = arith.mulf %parallel_loop3A_732, %parallel_loop3A_731 : vector<16xf32>
        %parallel_loop3A_734 = arith.constant 1.000000e+00 : f32
        %parallel_loop3A_735 = vector.broadcast %parallel_loop3A_734 : f32 to vector<16xf32>
        %parallel_loop3A_736 = arith.subf %parallel_loop3A_735, %parallel_loop3A_720 : vector<16xf32>
        %parallel_loop3A_737 = arith.mulf %parallel_loop3A_729, %parallel_loop3A_720 : vector<16xf32>
        %parallel_loop3A_738 = arith.mulf %parallel_loop3A_736, %parallel_loop3A_737 : vector<16xf32>
        %parallel_loop3A_739 = arith.mulf %parallel_loop3A_738, %parallel_loop3A_738 : vector<16xf32>
        %parallel_loop3A_740 = vector.broadcast %scan3A : f32 to vector<16xf32>
        %parallel_loop3A_741 = arith.mulf %parallel_loop3A_739, %parallel_loop3A_740 : vector<16xf32>
        %parallel_loop3A_742 = vector.broadcast %scan3A_17 : f32 to vector<16xf32>
        %parallel_loop3A_743 = arith.addf %parallel_loop3A_742, %parallel_loop3A_741 : vector<16xf32>
        %parallel_loop3A_744 = arith.mulf %parallel_loop3A_739, %parallel_loop3A_743 : vector<16xf32>
        %parallel_loop3A_745 = vector.broadcast %scan3A_18 : f32 to vector<16xf32>
        %parallel_loop3A_746 = arith.addf %parallel_loop3A_745, %parallel_loop3A_744 : vector<16xf32>
        %parallel_loop3A_747 = arith.mulf %parallel_loop3A_739, %parallel_loop3A_746 : vector<16xf32>
        %parallel_loop3A_748 = vector.broadcast %scan3A_19 : f32 to vector<16xf32>
        %parallel_loop3A_749 = arith.addf %parallel_loop3A_748, %parallel_loop3A_747 : vector<16xf32>
        %parallel_loop3A_750 = arith.mulf %parallel_loop3A_738, %parallel_loop3A_749 : vector<16xf32>
        %parallel_loop3A_751 = arith.constant 0.000000e+00 : f32
        %parallel_loop3A_752 = vector.broadcast %parallel_loop3A_751 : f32 to vector<16xf32>
        %parallel_loop3A_753 = arith.subf %parallel_loop3A_752, %parallel_loop3A_750 : vector<16xf32>
        %parallel_loop3A_754 = arith.mulf %parallel_loop3A_733, %parallel_loop3A_733 : vector<16xf32>
        %parallel_loop3A_755 = vector.broadcast %scan3A_20 : f32 to vector<16xf32>
        %parallel_loop3A_756 = arith.mulf %parallel_loop3A_755, %parallel_loop3A_754 : vector<16xf32>
        %parallel_loop3A_757 = arith.subf %parallel_loop3A_756, %parallel_loop3A_753 : vector<16xf32>
        %parallel_loop3A_758 = vector.extract_strided_slice %parallel_loop3A_113 {offsets = [11], sizes = [1], strides = [1]} : vector<16xf32> to vector<1xf32>
        %parallel_loop3A_759 = vector.extract %parallel_loop3A_758[0] : f32 from vector<1xf32>
        %parallel_loop3A_760 = vector.broadcast %parallel_loop3A_759 : f32 to vector<16xf32>
        %parallel_loop3A_761 = arith.mulf %parallel_loop3A_760, %parallel_loop3A_757 : vector<16xf32>
        %parallel_loop3A_762 = arith.addf %parallel_loop3A_546, %parallel_loop3A_761 : vector<16xf32>
        %parallel_loop3A_763 = arith.constant 2 : i32
        %parallel_loop3A_764 = arith.muli %parallel_loop3A_763, %parallel_loop3A_73 : i32
        %parallel_loop3A_765 = arith.constant 1 : i32
        %parallel_loop3A_766 = arith.addi %parallel_loop3A_764, %parallel_loop3A_765 : i32
        %parallel_loop3A_767 = arith.index_cast %parallel_loop3A_766 : i32 to index
        %parallel_loop3A_768 = arith.constant 64 : index
        %parallel_loop3A_769 = tpu.vector_load %arg9[%parallel_loop3A_767, %parallel_loop3A_768] {strides = array<i32>} : memref<256x128xf32, #tpu.memory_space<vmem>>, vector<1x16xf32>,
        %parallel_loop3A_770 = vector.shape_cast %parallel_loop3A_769 : vector<1x16xf32> to vector<16xf32>
        %parallel_loop3A_771 = arith.index_cast %parallel_loop3A_766 : i32 to index
        %parallel_loop3A_772 = arith.constant 64 : index
        %parallel_loop3A_773 = tpu.vector_load %arg10[%parallel_loop3A_771, %parallel_loop3A_772] {strides = array<i32>} : memref<256x128xf32, #tpu.memory_space<vmem>>, vector<1x16xf32>,
        %parallel_loop3A_774 = vector.shape_cast %parallel_loop3A_773 : vector<1x16xf32> to vector<16xf32>
        %parallel_loop3A_775 = arith.index_cast %parallel_loop3A_766 : i32 to index
        %parallel_loop3A_776 = arith.constant 64 : index
        %parallel_loop3A_777 = tpu.vector_load %arg11[%parallel_loop3A_775, %parallel_loop3A_776] {strides = array<i32>} : memref<256x128xf32, #tpu.memory_space<vmem>>, vector<1x16xf32>,
        %parallel_loop3A_778 = vector.shape_cast %parallel_loop3A_777 : vector<1x16xf32> to vector<16xf32>
        %parallel_loop3A_779 = arith.constant 1.000000e+00 : f32
        %parallel_loop3A_780 = vector.broadcast %parallel_loop3A_779 : f32 to vector<16xf32>
        %parallel_loop3A_781 = arith.mulf %parallel_loop3A_774, %parallel_loop3A_774 : vector<16xf32>
        %parallel_loop3A_782 = arith.addf %parallel_loop3A_774, %parallel_loop3A_781 : vector<16xf32>
        %parallel_loop3A_783 = arith.divf %parallel_loop3A_780, %parallel_loop3A_782 : vector<16xf32>
        %parallel_loop3A_784 = arith.mulf %parallel_loop3A_783, %parallel_loop3A_774 : vector<16xf32>
        %parallel_loop3A_785 = arith.addf %parallel_loop3A_783, %parallel_loop3A_784 : vector<16xf32>
        %parallel_loop3A_786 = arith.subf %parallel_loop3A_778, %parallel_loop3A_770 : vector<16xf32>
        %parallel_loop3A_787 = arith.mulf %parallel_loop3A_786, %parallel_loop3A_785 : vector<16xf32>
        %parallel_loop3A_788 = arith.constant 1.000000e+00 : f32
        %parallel_loop3A_789 = vector.broadcast %parallel_loop3A_788 : f32 to vector<16xf32>
        %parallel_loop3A_790 = arith.subf %parallel_loop3A_789, %parallel_loop3A_774 : vector<16xf32>
        %parallel_loop3A_791 = arith.mulf %parallel_loop3A_783, %parallel_loop3A_774 : vector<16xf32>
        %parallel_loop3A_792 = arith.mulf %parallel_loop3A_790, %parallel_loop3A_791 : vector<16xf32>
        %parallel_loop3A_793 = arith.mulf %parallel_loop3A_792, %parallel_loop3A_792 : vector<16xf32>
        %parallel_loop3A_794 = vector.broadcast %scan3A : f32 to vector<16xf32>
        %parallel_loop3A_795 = arith.mulf %parallel_loop3A_793, %parallel_loop3A_794 : vector<16xf32>
        %parallel_loop3A_796 = vector.broadcast %scan3A_17 : f32 to vector<16xf32>
        %parallel_loop3A_797 = arith.addf %parallel_loop3A_796, %parallel_loop3A_795 : vector<16xf32>
        %parallel_loop3A_798 = arith.mulf %parallel_loop3A_793, %parallel_loop3A_797 : vector<16xf32>
        %parallel_loop3A_799 = vector.broadcast %scan3A_18 : f32 to vector<16xf32>
        %parallel_loop3A_800 = arith.addf %parallel_loop3A_799, %parallel_loop3A_798 : vector<16xf32>
        %parallel_loop3A_801 = arith.mulf %parallel_loop3A_793, %parallel_loop3A_800 : vector<16xf32>
        %parallel_loop3A_802 = vector.broadcast %scan3A_19 : f32 to vector<16xf32>
        %parallel_loop3A_803 = arith.addf %parallel_loop3A_802, %parallel_loop3A_801 : vector<16xf32>
        %parallel_loop3A_804 = arith.mulf %parallel_loop3A_792, %parallel_loop3A_803 : vector<16xf32>
        %parallel_loop3A_805 = arith.constant 0.000000e+00 : f32
        %parallel_loop3A_806 = vector.broadcast %parallel_loop3A_805 : f32 to vector<16xf32>
        %parallel_loop3A_807 = arith.subf %parallel_loop3A_806, %parallel_loop3A_804 : vector<16xf32>
        %parallel_loop3A_808 = arith.mulf %parallel_loop3A_787, %parallel_loop3A_787 : vector<16xf32>
        %parallel_loop3A_809 = vector.broadcast %scan3A_20 : f32 to vector<16xf32>
        %parallel_loop3A_810 = arith.mulf %parallel_loop3A_809, %parallel_loop3A_808 : vector<16xf32>
        %parallel_loop3A_811 = arith.subf %parallel_loop3A_810, %parallel_loop3A_807 : vector<16xf32>
        %parallel_loop3A_812 = vector.extract_strided_slice %parallel_loop3A_113 {offsets = [12], sizes = [1], strides = [1]} : vector<16xf32> to vector<1xf32>
        %parallel_loop3A_813 = vector.extract %parallel_loop3A_812[0] : f32 from vector<1xf32>
        %parallel_loop3A_814 = vector.broadcast %parallel_loop3A_813 : f32 to vector<16xf32>
        %parallel_loop3A_815 = arith.mulf %parallel_loop3A_814, %parallel_loop3A_811 : vector<16xf32>
        %parallel_loop3A_816 = arith.addf %parallel_loop3A_600, %parallel_loop3A_815 : vector<16xf32>
        %parallel_loop3A_817 = arith.constant 2 : i32
        %parallel_loop3A_818 = arith.muli %parallel_loop3A_817, %parallel_loop3A_73 : i32
        %parallel_loop3A_819 = arith.constant 1 : i32
        %parallel_loop3A_820 = arith.addi %parallel_loop3A_818, %parallel_loop3A_819 : i32
        %parallel_loop3A_821 = arith.index_cast %parallel_loop3A_820 : i32 to index
        %parallel_loop3A_822 = arith.constant 80 : index
        %parallel_loop3A_823 = tpu.vector_load %arg9[%parallel_loop3A_821, %parallel_loop3A_822] {strides = array<i32>} : memref<256x128xf32, #tpu.memory_space<vmem>>, vector<1x16xf32>,
        %parallel_loop3A_824 = vector.shape_cast %parallel_loop3A_823 : vector<1x16xf32> to vector<16xf32>
        %parallel_loop3A_825 = arith.index_cast %parallel_loop3A_820 : i32 to index
        %parallel_loop3A_826 = arith.constant 80 : index
        %parallel_loop3A_827 = tpu.vector_load %arg10[%parallel_loop3A_825, %parallel_loop3A_826] {strides = array<i32>} : memref<256x128xf32, #tpu.memory_space<vmem>>, vector<1x16xf32>,
        %parallel_loop3A_828 = vector.shape_cast %parallel_loop3A_827 : vector<1x16xf32> to vector<16xf32>
        %parallel_loop3A_829 = arith.index_cast %parallel_loop3A_820 : i32 to index
        %parallel_loop3A_830 = arith.constant 80 : index
        %parallel_loop3A_831 = tpu.vector_load %arg11[%parallel_loop3A_829, %parallel_loop3A_830] {strides = array<i32>} : memref<256x128xf32, #tpu.memory_space<vmem>>, vector<1x16xf32>,
        %parallel_loop3A_832 = vector.shape_cast %parallel_loop3A_831 : vector<1x16xf32> to vector<16xf32>
        %parallel_loop3A_833 = arith.constant 1.000000e+00 : f32
        %parallel_loop3A_834 = vector.broadcast %parallel_loop3A_833 : f32 to vector<16xf32>
        %parallel_loop3A_835 = arith.mulf %parallel_loop3A_828, %parallel_loop3A_828 : vector<16xf32>
        %parallel_loop3A_836 = arith.addf %parallel_loop3A_828, %parallel_loop3A_835 : vector<16xf32>
        %parallel_loop3A_837 = arith.divf %parallel_loop3A_834, %parallel_loop3A_836 : vector<16xf32>
        %parallel_loop3A_838 = arith.mulf %parallel_loop3A_837, %parallel_loop3A_828 : vector<16xf32>
        %parallel_loop3A_839 = arith.addf %parallel_loop3A_837, %parallel_loop3A_838 : vector<16xf32>
        %parallel_loop3A_840 = arith.subf %parallel_loop3A_832, %parallel_loop3A_824 : vector<16xf32>
        %parallel_loop3A_841 = arith.mulf %parallel_loop3A_840, %parallel_loop3A_839 : vector<16xf32>
        %parallel_loop3A_842 = arith.constant 1.000000e+00 : f32
        %parallel_loop3A_843 = vector.broadcast %parallel_loop3A_842 : f32 to vector<16xf32>
        %parallel_loop3A_844 = arith.subf %parallel_loop3A_843, %parallel_loop3A_828 : vector<16xf32>
        %parallel_loop3A_845 = arith.mulf %parallel_loop3A_837, %parallel_loop3A_828 : vector<16xf32>
        %parallel_loop3A_846 = arith.mulf %parallel_loop3A_844, %parallel_loop3A_845 : vector<16xf32>
        %parallel_loop3A_847 = arith.mulf %parallel_loop3A_846, %parallel_loop3A_846 : vector<16xf32>
        %parallel_loop3A_848 = vector.broadcast %scan3A : f32 to vector<16xf32>
        %parallel_loop3A_849 = arith.mulf %parallel_loop3A_847, %parallel_loop3A_848 : vector<16xf32>
        %parallel_loop3A_850 = vector.broadcast %scan3A_17 : f32 to vector<16xf32>
        %parallel_loop3A_851 = arith.addf %parallel_loop3A_850, %parallel_loop3A_849 : vector<16xf32>
        %parallel_loop3A_852 = arith.mulf %parallel_loop3A_847, %parallel_loop3A_851 : vector<16xf32>
        %parallel_loop3A_853 = vector.broadcast %scan3A_18 : f32 to vector<16xf32>
        %parallel_loop3A_854 = arith.addf %parallel_loop3A_853, %parallel_loop3A_852 : vector<16xf32>
        %parallel_loop3A_855 = arith.mulf %parallel_loop3A_847, %parallel_loop3A_854 : vector<16xf32>
        %parallel_loop3A_856 = vector.broadcast %scan3A_19 : f32 to vector<16xf32>
        %parallel_loop3A_857 = arith.addf %parallel_loop3A_856, %parallel_loop3A_855 : vector<16xf32>
        %parallel_loop3A_858 = arith.mulf %parallel_loop3A_846, %parallel_loop3A_857 : vector<16xf32>
        %parallel_loop3A_859 = arith.constant 0.000000e+00 : f32
        %parallel_loop3A_860 = vector.broadcast %parallel_loop3A_859 : f32 to vector<16xf32>
        %parallel_loop3A_861 = arith.subf %parallel_loop3A_860, %parallel_loop3A_858 : vector<16xf32>
        %parallel_loop3A_862 = arith.mulf %parallel_loop3A_841, %parallel_loop3A_841 : vector<16xf32>
        %parallel_loop3A_863 = vector.broadcast %scan3A_20 : f32 to vector<16xf32>
        %parallel_loop3A_864 = arith.mulf %parallel_loop3A_863, %parallel_loop3A_862 : vector<16xf32>
        %parallel_loop3A_865 = arith.subf %parallel_loop3A_864, %parallel_loop3A_861 : vector<16xf32>
        %parallel_loop3A_866 = vector.extract_strided_slice %parallel_loop3A_113 {offsets = [13], sizes = [1], strides = [1]} : vector<16xf32> to vector<1xf32>
        %parallel_loop3A_867 = vector.extract %parallel_loop3A_866[0] : f32 from vector<1xf32>
        %parallel_loop3A_868 = vector.broadcast %parallel_loop3A_867 : f32 to vector<16xf32>
        %parallel_loop3A_869 = arith.mulf %parallel_loop3A_868, %parallel_loop3A_865 : vector<16xf32>
        %parallel_loop3A_870 = arith.addf %parallel_loop3A_654, %parallel_loop3A_869 : vector<16xf32>
        %parallel_loop3A_871 = arith.constant 2 : i32
        %parallel_loop3A_872 = arith.muli %parallel_loop3A_871, %parallel_loop3A_73 : i32
        %parallel_loop3A_873 = arith.constant 1 : i32
        %parallel_loop3A_874 = arith.addi %parallel_loop3A_872, %parallel_loop3A_873 : i32
        %parallel_loop3A_875 = arith.index_cast %parallel_loop3A_874 : i32 to index
        %parallel_loop3A_876 = arith.constant 96 : index
        %parallel_loop3A_877 = tpu.vector_load %arg9[%parallel_loop3A_875, %parallel_loop3A_876] {strides = array<i32>} : memref<256x128xf32, #tpu.memory_space<vmem>>, vector<1x16xf32>,
        %parallel_loop3A_878 = vector.shape_cast %parallel_loop3A_877 : vector<1x16xf32> to vector<16xf32>
        %parallel_loop3A_879 = arith.index_cast %parallel_loop3A_874 : i32 to index
        %parallel_loop3A_880 = arith.constant 96 : index
        %parallel_loop3A_881 = tpu.vector_load %arg10[%parallel_loop3A_879, %parallel_loop3A_880] {strides = array<i32>} : memref<256x128xf32, #tpu.memory_space<vmem>>, vector<1x16xf32>,
        %parallel_loop3A_882 = vector.shape_cast %parallel_loop3A_881 : vector<1x16xf32> to vector<16xf32>
        %parallel_loop3A_883 = arith.index_cast %parallel_loop3A_874 : i32 to index
        %parallel_loop3A_884 = arith.constant 96 : index
        %parallel_loop3A_885 = tpu.vector_load %arg11[%parallel_loop3A_883, %parallel_loop3A_884] {strides = array<i32>} : memref<256x128xf32, #tpu.memory_space<vmem>>, vector<1x16xf32>,
        %parallel_loop3A_886 = vector.shape_cast %parallel_loop3A_885 : vector<1x16xf32> to vector<16xf32>
        %parallel_loop3A_887 = arith.constant 1.000000e+00 : f32
        %parallel_loop3A_888 = vector.broadcast %parallel_loop3A_887 : f32 to vector<16xf32>
        %parallel_loop3A_889 = arith.mulf %parallel_loop3A_882, %parallel_loop3A_882 : vector<16xf32>
        %parallel_loop3A_890 = arith.addf %parallel_loop3A_882, %parallel_loop3A_889 : vector<16xf32>
        %parallel_loop3A_891 = arith.divf %parallel_loop3A_888, %parallel_loop3A_890 : vector<16xf32>
        %parallel_loop3A_892 = arith.mulf %parallel_loop3A_891, %parallel_loop3A_882 : vector<16xf32>
        %parallel_loop3A_893 = arith.addf %parallel_loop3A_891, %parallel_loop3A_892 : vector<16xf32>
        %parallel_loop3A_894 = arith.subf %parallel_loop3A_886, %parallel_loop3A_878 : vector<16xf32>
        %parallel_loop3A_895 = arith.mulf %parallel_loop3A_894, %parallel_loop3A_893 : vector<16xf32>
        %parallel_loop3A_896 = arith.constant 1.000000e+00 : f32
        %parallel_loop3A_897 = vector.broadcast %parallel_loop3A_896 : f32 to vector<16xf32>
        %parallel_loop3A_898 = arith.subf %parallel_loop3A_897, %parallel_loop3A_882 : vector<16xf32>
        %parallel_loop3A_899 = arith.mulf %parallel_loop3A_891, %parallel_loop3A_882 : vector<16xf32>
        %parallel_loop3A_900 = arith.mulf %parallel_loop3A_898, %parallel_loop3A_899 : vector<16xf32>
        %parallel_loop3A_901 = arith.mulf %parallel_loop3A_900, %parallel_loop3A_900 : vector<16xf32>
        %parallel_loop3A_902 = vector.broadcast %scan3A : f32 to vector<16xf32>
        %parallel_loop3A_903 = arith.mulf %parallel_loop3A_901, %parallel_loop3A_902 : vector<16xf32>
        %parallel_loop3A_904 = vector.broadcast %scan3A_17 : f32 to vector<16xf32>
        %parallel_loop3A_905 = arith.addf %parallel_loop3A_904, %parallel_loop3A_903 : vector<16xf32>
        %parallel_loop3A_906 = arith.mulf %parallel_loop3A_901, %parallel_loop3A_905 : vector<16xf32>
        %parallel_loop3A_907 = vector.broadcast %scan3A_18 : f32 to vector<16xf32>
        %parallel_loop3A_908 = arith.addf %parallel_loop3A_907, %parallel_loop3A_906 : vector<16xf32>
        %parallel_loop3A_909 = arith.mulf %parallel_loop3A_901, %parallel_loop3A_908 : vector<16xf32>
        %parallel_loop3A_910 = vector.broadcast %scan3A_19 : f32 to vector<16xf32>
        %parallel_loop3A_911 = arith.addf %parallel_loop3A_910, %parallel_loop3A_909 : vector<16xf32>
        %parallel_loop3A_912 = arith.mulf %parallel_loop3A_900, %parallel_loop3A_911 : vector<16xf32>
        %parallel_loop3A_913 = arith.constant 0.000000e+00 : f32
        %parallel_loop3A_914 = vector.broadcast %parallel_loop3A_913 : f32 to vector<16xf32>
        %parallel_loop3A_915 = arith.subf %parallel_loop3A_914, %parallel_loop3A_912 : vector<16xf32>
        %parallel_loop3A_916 = arith.mulf %parallel_loop3A_895, %parallel_loop3A_895 : vector<16xf32>
        %parallel_loop3A_917 = vector.broadcast %scan3A_20 : f32 to vector<16xf32>
        %parallel_loop3A_918 = arith.mulf %parallel_loop3A_917, %parallel_loop3A_916 : vector<16xf32>
        %parallel_loop3A_919 = arith.subf %parallel_loop3A_918, %parallel_loop3A_915 : vector<16xf32>
        %parallel_loop3A_920 = vector.extract_strided_slice %parallel_loop3A_113 {offsets = [14], sizes = [1], strides = [1]} : vector<16xf32> to vector<1xf32>
        %parallel_loop3A_921 = vector.extract %parallel_loop3A_920[0] : f32 from vector<1xf32>
        %parallel_loop3A_922 = vector.broadcast %parallel_loop3A_921 : f32 to vector<16xf32>
        %parallel_loop3A_923 = arith.mulf %parallel_loop3A_922, %parallel_loop3A_919 : vector<16xf32>
        %parallel_loop3A_924 = arith.addf %parallel_loop3A_708, %parallel_loop3A_923 : vector<16xf32>
        %parallel_loop3A_925 = arith.constant 2 : i32
        %parallel_loop3A_926 = arith.muli %parallel_loop3A_925, %parallel_loop3A_73 : i32
        %parallel_loop3A_927 = arith.constant 1 : i32
        %parallel_loop3A_928 = arith.addi %parallel_loop3A_926, %parallel_loop3A_927 : i32
        %parallel_loop3A_929 = arith.index_cast %parallel_loop3A_928 : i32 to index
        %parallel_loop3A_930 = arith.constant 112 : index
        %parallel_loop3A_931 = tpu.vector_load %arg9[%parallel_loop3A_929, %parallel_loop3A_930] {strides = array<i32>} : memref<256x128xf32, #tpu.memory_space<vmem>>, vector<1x16xf32>,
        %parallel_loop3A_932 = vector.shape_cast %parallel_loop3A_931 : vector<1x16xf32> to vector<16xf32>
        %parallel_loop3A_933 = arith.index_cast %parallel_loop3A_928 : i32 to index
        %parallel_loop3A_934 = arith.constant 112 : index
        %parallel_loop3A_935 = tpu.vector_load %arg10[%parallel_loop3A_933, %parallel_loop3A_934] {strides = array<i32>} : memref<256x128xf32, #tpu.memory_space<vmem>>, vector<1x16xf32>,
        %parallel_loop3A_936 = vector.shape_cast %parallel_loop3A_935 : vector<1x16xf32> to vector<16xf32>
        %parallel_loop3A_937 = arith.index_cast %parallel_loop3A_928 : i32 to index
        %parallel_loop3A_938 = arith.constant 112 : index
        %parallel_loop3A_939 = tpu.vector_load %arg11[%parallel_loop3A_937, %parallel_loop3A_938] {strides = array<i32>} : memref<256x128xf32, #tpu.memory_space<vmem>>, vector<1x16xf32>,
        %parallel_loop3A_940 = vector.shape_cast %parallel_loop3A_939 : vector<1x16xf32> to vector<16xf32>
        %parallel_loop3A_941 = arith.constant 1.000000e+00 : f32
        %parallel_loop3A_942 = vector.broadcast %parallel_loop3A_941 : f32 to vector<16xf32>
        %parallel_loop3A_943 = arith.mulf %parallel_loop3A_936, %parallel_loop3A_936 : vector<16xf32>
        %parallel_loop3A_944 = arith.addf %parallel_loop3A_936, %parallel_loop3A_943 : vector<16xf32>
        %parallel_loop3A_945 = arith.divf %parallel_loop3A_942, %parallel_loop3A_944 : vector<16xf32>
        %parallel_loop3A_946 = arith.mulf %parallel_loop3A_945, %parallel_loop3A_936 : vector<16xf32>
        %parallel_loop3A_947 = arith.addf %parallel_loop3A_945, %parallel_loop3A_946 : vector<16xf32>
        %parallel_loop3A_948 = arith.subf %parallel_loop3A_940, %parallel_loop3A_932 : vector<16xf32>
        %parallel_loop3A_949 = arith.mulf %parallel_loop3A_948, %parallel_loop3A_947 : vector<16xf32>
        %parallel_loop3A_950 = arith.constant 1.000000e+00 : f32
        %parallel_loop3A_951 = vector.broadcast %parallel_loop3A_950 : f32 to vector<16xf32>
        %parallel_loop3A_952 = arith.subf %parallel_loop3A_951, %parallel_loop3A_936 : vector<16xf32>
        %parallel_loop3A_953 = arith.mulf %parallel_loop3A_945, %parallel_loop3A_936 : vector<16xf32>
        %parallel_loop3A_954 = arith.mulf %parallel_loop3A_952, %parallel_loop3A_953 : vector<16xf32>
        %parallel_loop3A_955 = arith.mulf %parallel_loop3A_954, %parallel_loop3A_954 : vector<16xf32>
        %parallel_loop3A_956 = vector.broadcast %scan3A : f32 to vector<16xf32>
        %parallel_loop3A_957 = arith.mulf %parallel_loop3A_955, %parallel_loop3A_956 : vector<16xf32>
        %parallel_loop3A_958 = vector.broadcast %scan3A_17 : f32 to vector<16xf32>
        %parallel_loop3A_959 = arith.addf %parallel_loop3A_958, %parallel_loop3A_957 : vector<16xf32>
        %parallel_loop3A_960 = arith.mulf %parallel_loop3A_955, %parallel_loop3A_959 : vector<16xf32>
        %parallel_loop3A_961 = vector.broadcast %scan3A_18 : f32 to vector<16xf32>
        %parallel_loop3A_962 = arith.addf %parallel_loop3A_961, %parallel_loop3A_960 : vector<16xf32>
        %parallel_loop3A_963 = arith.mulf %parallel_loop3A_955, %parallel_loop3A_962 : vector<16xf32>
        %parallel_loop3A_964 = vector.broadcast %scan3A_19 : f32 to vector<16xf32>
        %parallel_loop3A_965 = arith.addf %parallel_loop3A_964, %parallel_loop3A_963 : vector<16xf32>
        %parallel_loop3A_966 = arith.mulf %parallel_loop3A_954, %parallel_loop3A_965 : vector<16xf32>
        %parallel_loop3A_967 = arith.constant 0.000000e+00 : f32
        %parallel_loop3A_968 = vector.broadcast %parallel_loop3A_967 : f32 to vector<16xf32>
        %parallel_loop3A_969 = arith.subf %parallel_loop3A_968, %parallel_loop3A_966 : vector<16xf32>
        %parallel_loop3A_970 = arith.mulf %parallel_loop3A_949, %parallel_loop3A_949 : vector<16xf32>
        %parallel_loop3A_971 = vector.broadcast %scan3A_20 : f32 to vector<16xf32>
        %parallel_loop3A_972 = arith.mulf %parallel_loop3A_971, %parallel_loop3A_970 : vector<16xf32>
        %parallel_loop3A_973 = arith.subf %parallel_loop3A_972, %parallel_loop3A_969 : vector<16xf32>
        %parallel_loop3A_974 = vector.extract_strided_slice %parallel_loop3A_113 {offsets = [15], sizes = [1], strides = [1]} : vector<16xf32> to vector<1xf32>
        %parallel_loop3A_975 = vector.extract %parallel_loop3A_974[0] : f32 from vector<1xf32>
        %parallel_loop3A_976 = vector.broadcast %parallel_loop3A_975 : f32 to vector<16xf32>
        %parallel_loop3A_977 = arith.mulf %parallel_loop3A_976, %parallel_loop3A_973 : vector<16xf32>
        %parallel_loop3A_978 = arith.addf %parallel_loop3A_762, %parallel_loop3A_977 : vector<16xf32>
        scf.yield %parallel_loop3A_816, %parallel_loop3A_870, %parallel_loop3A_924, %parallel_loop3A_978, %parallel_loop3A_114 : vector<16xf32>, vector<16xf32>, vector<16xf32>, vector<16xf32>, vector<16xf32>
      } {sc.loop_unroll_factor = 2 : i64, sc.parallel_access}
      scf.yield %parallel_loop3A_72#0, %parallel_loop3A_72#1, %parallel_loop3A_72#2, %parallel_loop3A_72#3, %parallel_loop3A_72#4 : vector<16xf32>, vector<16xf32>, vector<16xf32>, vector<16xf32>, vector<16xf32>
    }
    %scan3A_26 = arith.constant 4 : i32
    %swap3A = arith.constant 0 : i32
    %swap3A_27 = arith.index_cast %swap3A : i32 to index
    %swap3A_28 = arith.constant 0 : index
    %swap3A_29 = tpu.vector_load %arg15[%swap3A_27, %swap3A_28] {strides = array<i32>} : memref<2x16xf32, #tpu.memory_space<vmem>>, vector<1x16xf32>,
    %swap3A_30 = vector.shape_cast %swap3A_29 : vector<1x16xf32> to vector<16xf32>
    %swap3A_31 = vector.shape_cast %scan3A_25#4 : vector<16xf32> to vector<1x16xf32>
    tpu.vector_store %arg15[%swap3A_27, %swap3A_28], %swap3A_31 {strides = array<i32>} : memref<2x16xf32, #tpu.memory_space<vmem>>, vector<1x16xf32>,
    %add3A_32 = arith.addf %scan3A_25#0, %scan3A_25#1 : vector<16xf32>
    %add3A_33 = arith.addf %scan3A_25#2, %scan3A_25#3 : vector<16xf32>
    %add3A_34 = arith.addf %add3A_32, %add3A_33 : vector<16xf32>
    %swap3A_35 = arith.constant 1 : i32
    %swap3A_36 = arith.index_cast %swap3A_35 : i32 to index
    %swap3A_37 = arith.constant 0 : index
    %swap3A_38 = tpu.vector_load %arg15[%swap3A_36, %swap3A_37] {strides = array<i32>} : memref<2x16xf32, #tpu.memory_space<vmem>>, vector<1x16xf32>,
    %swap3A_39 = vector.shape_cast %swap3A_38 : vector<1x16xf32> to vector<16xf32>
    %swap3A_40 = vector.shape_cast %add3A_34 : vector<16xf32> to vector<1x16xf32>
    tpu.vector_store %arg15[%swap3A_36, %swap3A_37], %swap3A_40 {strides = array<i32>} : memref<2x16xf32, #tpu.memory_space<vmem>>, vector<1x16xf32>,
    "tpu.region"() ({
      %run_scoped3A = tpu.sem_alloc : memref<!tpu.dma_semaphore, #tpu.memory_space<semaphore_mem>>
      %dma_start3A = arith.constant 0 : i32
      %dma_start3A_41 = arith.constant 0 : i32
      %dma_start3A_42 = tpu.memref_slice %arg8[%add3A, %dma_start3A, %dma_start3A_41] : memref<32x2x16xf32, #tpu.memory_space<hbm>> -> memref<1x2x16xf32, #tpu.memory_space<hbm>>
      %dma_start3A_43 = tpu.memref_squeeze %dma_start3A_42 : memref<1x2x16xf32, #tpu.memory_space<hbm>> -> memref<2x16xf32, #tpu.memory_space<hbm>>
      %dma_start3A_44 = arith.constant 0 : i32
      %dma_start3A_45 = arith.constant 0 : i32
      %dma_start3A_46 = tpu.memref_slice %arg8[%add3A, %dma_start3A_44, %dma_start3A_45] : memref<32x2x16xf32, #tpu.memory_space<hbm>> -> memref<1x2x16xf32, #tpu.memory_space<hbm>>
      %dma_start3A_47 = tpu.memref_squeeze %dma_start3A_46 : memref<1x2x16xf32, #tpu.memory_space<hbm>> -> memref<2x16xf32, #tpu.memory_space<hbm>>
      tpu.enqueue_dma source(%arg15 : memref<2x16xf32, #tpu.memory_space<vmem>>) target(%dma_start3A_47 : memref<2x16xf32, #tpu.memory_space<hbm>>) target_semaphore(%run_scoped3A : memref<!tpu.dma_semaphore, #tpu.memory_space<semaphore_mem>>)
      %dma_wait3A = arith.constant 0 : i32
      %dma_wait3A_48 = arith.constant 0 : i32
      %dma_wait3A_49 = tpu.memref_slice %arg8[%add3A, %dma_wait3A, %dma_wait3A_48] : memref<32x2x16xf32, #tpu.memory_space<hbm>> -> memref<1x2x16xf32, #tpu.memory_space<hbm>>
      %dma_wait3A_50 = tpu.memref_squeeze %dma_wait3A_49 : memref<1x2x16xf32, #tpu.memory_space<hbm>> -> memref<2x16xf32, #tpu.memory_space<hbm>>
      %dma_wait3A_51 = arith.constant 0 : i32
      %dma_wait3A_52 = arith.constant 0 : i32
      %dma_wait3A_53 = tpu.memref_slice %arg8[%add3A, %dma_wait3A_51, %dma_wait3A_52] : memref<32x2x16xf32, #tpu.memory_space<hbm>> -> memref<1x2x16xf32, #tpu.memory_space<hbm>>
      %dma_wait3A_54 = tpu.memref_squeeze %dma_wait3A_53 : memref<1x2x16xf32, #tpu.memory_space<hbm>> -> memref<2x16xf32, #tpu.memory_space<hbm>>
      tpu.wait_dma2 semaphore(%run_scoped3A : memref<!tpu.dma_semaphore, #tpu.memory_space<semaphore_mem>>) src(%arg15 : memref<2x16xf32, #tpu.memory_space<vmem>>) dst(%dma_wait3A_54 : memref<2x16xf32, #tpu.memory_space<hbm>>)
      tpu.yield
    }) : () -> ()
    return
  }
}

module attributes {stable_mosaic.version = 14 : i64} {
  func.func @_select_body(%arg0: memref<1xf32, #tpu.memory_space<smem>>, %arg1: memref<128x2048xf32, #tpu.memory_space<vmem>>, %arg2: memref<16xi32, #tpu.memory_space<smem>>, %arg3: memref<16xf32, #tpu.memory_space<smem>>) attributes {dimension_semantics = [], scalar_prefetch = 0 : i64, scratch_operands = 0 : i64, tpu.core_type = #tpu.core_type<tc>} {
    %get3A = arith.constant 0 : index
    %get3A_0 = arith.constant 0 : index
    %get3A_1 = vector.load %arg1[%get3A, %get3A_0] : memref<128x2048xf32, #tpu.memory_space<vmem>>, vector<128x2048xf32>
    %bitcast_convert_type3A = tpu.bitcast %get3A_1 : vector<128x2048xf32> -> vector<128x2048xi32>
    %shift_right_arithmetic3A = arith.constant 31 : i32
    %shift_right_arithmetic3A_2 = vector.broadcast %shift_right_arithmetic3A : i32 to vector<128x2048xi32>
    %shift_right_arithmetic3A_3 = arith.shrsi %bitcast_convert_type3A, %shift_right_arithmetic3A_2 : vector<128x2048xi32>
    %and3A = arith.constant 2147483647 : i32
    %and3A_4 = vector.broadcast %and3A : i32 to vector<128x2048xi32>
    %and3A_5 = arith.andi %shift_right_arithmetic3A_3, %and3A_4 : vector<128x2048xi32>
    %xor3A = arith.xori %bitcast_convert_type3A, %and3A_5 : vector<128x2048xi32>
    %scan3A = arith.constant -2147483648 : i32
    %scan3A_6 = arith.constant 0 : i32
    %scan3A_7 = arith.constant 32 : i32
    %scan3A_8 = arith.addi %scan3A_6, %scan3A_7 : i32
    %scan3A_9 = arith.constant 1 : i32
    %scan3A_10 = scf.for %scan3A_128 = %scan3A_6 to %scan3A_8 step %scan3A_9 iter_args(%scan3A_129 = %scan3A) -> (i32)  : i32 {
      %sub3A_130 = arith.constant 31 : i32
      %sub3A_131 = arith.subi %sub3A_130, %scan3A_128 : i32
      %shift_left3A = arith.constant 1 : i32
      %shift_left3A_132 = arith.shli %shift_left3A, %sub3A_131 : i32
      %add3A_133 = arith.addi %scan3A_129, %shift_left3A_132 : i32
      %ge3A = vector.broadcast %add3A_133 : i32 to vector<128x2048xi32>
      %ge3A_134 = arith.cmpi sge, %xor3A, %ge3A : vector<128x2048xi32>
      %convert_element_type3A_135 = arith.extui %ge3A_134 : vector<128x2048xi1> to vector<128x2048xi32>
      %reduce_sum3A_136 = vector.shape_cast %convert_element_type3A_135 : vector<128x2048xi32> to vector<1x128x2048xi32>
      %reduce_sum3A_137 = arith.constant dense<0> : vector<1xi32>
      %reduce_sum3A_138 = vector.multi_reduction <add>, %reduce_sum3A_136, %reduce_sum3A_137 [1, 2] : vector<1x128x2048xi32> to vector<1xi32>
      %reduce_sum3A_139 = vector.shape_cast %reduce_sum3A_138 : vector<1xi32> to vector<1x1x1xi32>
      %reduce_sum3A_140 = vector.extract %reduce_sum3A_139[0, 0, 0] : i32 from vector<1x1x1xi32>
      %ge3A_141 = arith.constant 131072 : i32
      %ge3A_142 = arith.cmpi sge, %reduce_sum3A_140, %ge3A_141 : i32
      %select_n3A = arith.select %ge3A_142, %add3A_133, %scan3A_129 : i32
      scf.yield %select_n3A : i32
    }
    %scan3A_11 = arith.constant 32 : i32
    %gt3A = vector.broadcast %scan3A_10 : i32 to vector<128x2048xi32>
    %gt3A_12 = arith.cmpi sgt, %xor3A, %gt3A : vector<128x2048xi32>
    %convert_element_type3A = arith.extui %gt3A_12 : vector<128x2048xi1> to vector<128x2048xi32>
    %reduce_sum3A = vector.shape_cast %convert_element_type3A : vector<128x2048xi32> to vector<1x128x2048xi32>
    %reduce_sum3A_13 = arith.constant dense<0> : vector<1xi32>
    %reduce_sum3A_14 = vector.multi_reduction <add>, %reduce_sum3A, %reduce_sum3A_13 [1, 2] : vector<1x128x2048xi32> to vector<1xi32>
    %reduce_sum3A_15 = vector.shape_cast %reduce_sum3A_14 : vector<1xi32> to vector<1x1x1xi32>
    %reduce_sum3A_16 = vector.extract %reduce_sum3A_15[0, 0, 0] : i32 from vector<1x1x1xi32>
    %sub3A = arith.constant 131072 : i32
    %sub3A_17 = arith.subi %sub3A, %reduce_sum3A_16 : i32
    %eq3A = vector.broadcast %scan3A_10 : i32 to vector<128x2048xi32>
    %eq3A_18 = arith.cmpi eq, %xor3A, %eq3A : vector<128x2048xi32>
    %iota3A = tpu.iota {dimensions = array<i32: 0>} : vector<128x2048xi32>
    %mul3A = arith.constant 2048 : i32
    %mul3A_19 = vector.broadcast %mul3A : i32 to vector<128x2048xi32>
    %mul3A_20 = arith.muli %iota3A, %mul3A_19 : vector<128x2048xi32>
    %iota3A_21 = tpu.iota {dimensions = array<i32: 1>} : vector<128x2048xi32>
    %add3A = arith.addi %mul3A_20, %iota3A_21 : vector<128x2048xi32>
    %scan3A_22 = arith.constant 0 : i32
    %scan3A_23 = arith.constant 0 : i32
    %scan3A_24 = arith.constant 18 : i32
    %scan3A_25 = arith.addi %scan3A_23, %scan3A_24 : i32
    %scan3A_26 = arith.constant 1 : i32
    %scan3A_27 = scf.for %scan3A_128 = %scan3A_23 to %scan3A_25 step %scan3A_26 iter_args(%scan3A_129 = %scan3A_22) -> (i32)  : i32 {
      %sub3A_130 = arith.constant 17 : i32
      %sub3A_131 = arith.subi %sub3A_130, %scan3A_128 : i32
      %shift_left3A = arith.constant 1 : i32
      %shift_left3A_132 = arith.shli %shift_left3A, %sub3A_131 : i32
      %or3A = arith.ori %scan3A_129, %shift_left3A_132 : i32
      %lt3A = vector.broadcast %or3A : i32 to vector<128x2048xi32>
      %lt3A_133 = arith.cmpi slt, %add3A, %lt3A : vector<128x2048xi32>
      %and3A_134 = arith.andi %eq3A_18, %lt3A_133 : vector<128x2048xi1>
      %convert_element_type3A_135 = arith.extui %and3A_134 : vector<128x2048xi1> to vector<128x2048xi32>
      %reduce_sum3A_136 = vector.shape_cast %convert_element_type3A_135 : vector<128x2048xi32> to vector<1x128x2048xi32>
      %reduce_sum3A_137 = arith.constant dense<0> : vector<1xi32>
      %reduce_sum3A_138 = vector.multi_reduction <add>, %reduce_sum3A_136, %reduce_sum3A_137 [1, 2] : vector<1x128x2048xi32> to vector<1xi32>
      %reduce_sum3A_139 = vector.shape_cast %reduce_sum3A_138 : vector<1xi32> to vector<1x1x1xi32>
      %reduce_sum3A_140 = vector.extract %reduce_sum3A_139[0, 0, 0] : i32 from vector<1x1x1xi32>
      %lt3A_141 = arith.cmpi slt, %reduce_sum3A_140, %sub3A_17 : i32
      %select_n3A = arith.select %lt3A_141, %or3A, %scan3A_129 : i32
      scf.yield %select_n3A : i32
    }
    %scan3A_28 = arith.constant 18 : i32
    %swap3A = arith.constant 0 : index
    %swap3A_29 = memref.load %arg2[%swap3A] : memref<16xi32, #tpu.memory_space<smem>>
    memref.store %scan3A_10, %arg2[%swap3A] : memref<16xi32, #tpu.memory_space<smem>>
    %swap3A_30 = arith.constant 1 : index
    %swap3A_31 = memref.load %arg2[%swap3A_30] : memref<16xi32, #tpu.memory_space<smem>>
    memref.store %scan3A_27, %arg2[%swap3A_30] : memref<16xi32, #tpu.memory_space<smem>>
    %swap3A_32 = arith.constant 0 : i32
    %swap3A_33 = arith.constant 2 : index
    %swap3A_34 = memref.load %arg2[%swap3A_33] : memref<16xi32, #tpu.memory_space<smem>>
    memref.store %swap3A_32, %arg2[%swap3A_33] : memref<16xi32, #tpu.memory_space<smem>>
    %swap3A_35 = arith.constant 0 : i32
    %swap3A_36 = arith.constant 3 : index
    %swap3A_37 = memref.load %arg2[%swap3A_36] : memref<16xi32, #tpu.memory_space<smem>>
    memref.store %swap3A_35, %arg2[%swap3A_36] : memref<16xi32, #tpu.memory_space<smem>>
    %swap3A_38 = arith.constant 0 : i32
    %swap3A_39 = arith.constant 4 : index
    %swap3A_40 = memref.load %arg2[%swap3A_39] : memref<16xi32, #tpu.memory_space<smem>>
    memref.store %swap3A_38, %arg2[%swap3A_39] : memref<16xi32, #tpu.memory_space<smem>>
    %swap3A_41 = arith.constant 0 : i32
    %swap3A_42 = arith.constant 5 : index
    %swap3A_43 = memref.load %arg2[%swap3A_42] : memref<16xi32, #tpu.memory_space<smem>>
    memref.store %swap3A_41, %arg2[%swap3A_42] : memref<16xi32, #tpu.memory_space<smem>>
    %swap3A_44 = arith.constant 0 : i32
    %swap3A_45 = arith.constant 6 : index
    %swap3A_46 = memref.load %arg2[%swap3A_45] : memref<16xi32, #tpu.memory_space<smem>>
    memref.store %swap3A_44, %arg2[%swap3A_45] : memref<16xi32, #tpu.memory_space<smem>>
    %swap3A_47 = arith.constant 0 : i32
    %swap3A_48 = arith.constant 7 : index
    %swap3A_49 = memref.load %arg2[%swap3A_48] : memref<16xi32, #tpu.memory_space<smem>>
    memref.store %swap3A_47, %arg2[%swap3A_48] : memref<16xi32, #tpu.memory_space<smem>>
    %swap3A_50 = arith.constant 0 : i32
    %swap3A_51 = arith.constant 8 : index
    %swap3A_52 = memref.load %arg2[%swap3A_51] : memref<16xi32, #tpu.memory_space<smem>>
    memref.store %swap3A_50, %arg2[%swap3A_51] : memref<16xi32, #tpu.memory_space<smem>>
    %swap3A_53 = arith.constant 0 : i32
    %swap3A_54 = arith.constant 9 : index
    %swap3A_55 = memref.load %arg2[%swap3A_54] : memref<16xi32, #tpu.memory_space<smem>>
    memref.store %swap3A_53, %arg2[%swap3A_54] : memref<16xi32, #tpu.memory_space<smem>>
    %swap3A_56 = arith.constant 0 : i32
    %swap3A_57 = arith.constant 10 : index
    %swap3A_58 = memref.load %arg2[%swap3A_57] : memref<16xi32, #tpu.memory_space<smem>>
    memref.store %swap3A_56, %arg2[%swap3A_57] : memref<16xi32, #tpu.memory_space<smem>>
    %swap3A_59 = arith.constant 0 : i32
    %swap3A_60 = arith.constant 11 : index
    %swap3A_61 = memref.load %arg2[%swap3A_60] : memref<16xi32, #tpu.memory_space<smem>>
    memref.store %swap3A_59, %arg2[%swap3A_60] : memref<16xi32, #tpu.memory_space<smem>>
    %swap3A_62 = arith.constant 0 : i32
    %swap3A_63 = arith.constant 12 : index
    %swap3A_64 = memref.load %arg2[%swap3A_63] : memref<16xi32, #tpu.memory_space<smem>>
    memref.store %swap3A_62, %arg2[%swap3A_63] : memref<16xi32, #tpu.memory_space<smem>>
    %swap3A_65 = arith.constant 0 : i32
    %swap3A_66 = arith.constant 13 : index
    %swap3A_67 = memref.load %arg2[%swap3A_66] : memref<16xi32, #tpu.memory_space<smem>>
    memref.store %swap3A_65, %arg2[%swap3A_66] : memref<16xi32, #tpu.memory_space<smem>>
    %swap3A_68 = arith.constant 0 : i32
    %swap3A_69 = arith.constant 14 : index
    %swap3A_70 = memref.load %arg2[%swap3A_69] : memref<16xi32, #tpu.memory_space<smem>>
    memref.store %swap3A_68, %arg2[%swap3A_69] : memref<16xi32, #tpu.memory_space<smem>>
    %swap3A_71 = arith.constant 0 : i32
    %swap3A_72 = arith.constant 15 : index
    %swap3A_73 = memref.load %arg2[%swap3A_72] : memref<16xi32, #tpu.memory_space<smem>>
    memref.store %swap3A_71, %arg2[%swap3A_72] : memref<16xi32, #tpu.memory_space<smem>>
    %reduce_max3A = vector.shape_cast %get3A_1 : vector<128x2048xf32> to vector<1x128x2048xf32>
    %reduce_max3A_74 = arith.constant dense<0xFF800000> : vector<1xf32>
    %reduce_max3A_75 = vector.multi_reduction <maximumf>, %reduce_max3A, %reduce_max3A_74 [1, 2] : vector<1x128x2048xf32> to vector<1xf32>
    %reduce_max3A_76 = vector.shape_cast %reduce_max3A_75 : vector<1xf32> to vector<1x1x1xf32>
    %reduce_max3A_77 = vector.extract %reduce_max3A_76[0, 0, 0] : f32 from vector<1x1x1xf32>
    %swap3A_78 = arith.constant 0 : index
    %swap3A_79 = memref.load %arg3[%swap3A_78] : memref<16xf32, #tpu.memory_space<smem>>
    memref.store %reduce_max3A_77, %arg3[%swap3A_78] : memref<16xf32, #tpu.memory_space<smem>>
    %get3A_80 = arith.constant 0 : index
    %get3A_81 = memref.load %arg0[%get3A_80] : memref<1xf32, #tpu.memory_space<smem>>
    %add3A_82 = arith.constant 1.000000e-03 : f32
    %add3A_83 = arith.addf %get3A_81, %add3A_82 : f32
    %swap3A_84 = arith.constant 1 : index
    %swap3A_85 = memref.load %arg3[%swap3A_84] : memref<16xf32, #tpu.memory_space<smem>>
    memref.store %add3A_83, %arg3[%swap3A_84] : memref<16xf32, #tpu.memory_space<smem>>
    %swap3A_86 = arith.constant 0.000000e+00 : f32
    %swap3A_87 = arith.constant 2 : index
    %swap3A_88 = memref.load %arg3[%swap3A_87] : memref<16xf32, #tpu.memory_space<smem>>
    memref.store %swap3A_86, %arg3[%swap3A_87] : memref<16xf32, #tpu.memory_space<smem>>
    %swap3A_89 = arith.constant 0.000000e+00 : f32
    %swap3A_90 = arith.constant 3 : index
    %swap3A_91 = memref.load %arg3[%swap3A_90] : memref<16xf32, #tpu.memory_space<smem>>
    memref.store %swap3A_89, %arg3[%swap3A_90] : memref<16xf32, #tpu.memory_space<smem>>
    %swap3A_92 = arith.constant 0.000000e+00 : f32
    %swap3A_93 = arith.constant 4 : index
    %swap3A_94 = memref.load %arg3[%swap3A_93] : memref<16xf32, #tpu.memory_space<smem>>
    memref.store %swap3A_92, %arg3[%swap3A_93] : memref<16xf32, #tpu.memory_space<smem>>
    %swap3A_95 = arith.constant 0.000000e+00 : f32
    %swap3A_96 = arith.constant 5 : index
    %swap3A_97 = memref.load %arg3[%swap3A_96] : memref<16xf32, #tpu.memory_space<smem>>
    memref.store %swap3A_95, %arg3[%swap3A_96] : memref<16xf32, #tpu.memory_space<smem>>
    %swap3A_98 = arith.constant 0.000000e+00 : f32
    %swap3A_99 = arith.constant 6 : index
    %swap3A_100 = memref.load %arg3[%swap3A_99] : memref<16xf32, #tpu.memory_space<smem>>
    memref.store %swap3A_98, %arg3[%swap3A_99] : memref<16xf32, #tpu.memory_space<smem>>
    %swap3A_101 = arith.constant 0.000000e+00 : f32
    %swap3A_102 = arith.constant 7 : index
    %swap3A_103 = memref.load %arg3[%swap3A_102] : memref<16xf32, #tpu.memory_space<smem>>
    memref.store %swap3A_101, %arg3[%swap3A_102] : memref<16xf32, #tpu.memory_space<smem>>
    %swap3A_104 = arith.constant 0.000000e+00 : f32
    %swap3A_105 = arith.constant 8 : index
    %swap3A_106 = memref.load %arg3[%swap3A_105] : memref<16xf32, #tpu.memory_space<smem>>
    memref.store %swap3A_104, %arg3[%swap3A_105] : memref<16xf32, #tpu.memory_space<smem>>
    %swap3A_107 = arith.constant 0.000000e+00 : f32
    %swap3A_108 = arith.constant 9 : index
    %swap3A_109 = memref.load %arg3[%swap3A_108] : memref<16xf32, #tpu.memory_space<smem>>
    memref.store %swap3A_107, %arg3[%swap3A_108] : memref<16xf32, #tpu.memory_space<smem>>
    %swap3A_110 = arith.constant 0.000000e+00 : f32
    %swap3A_111 = arith.constant 10 : index
    %swap3A_112 = memref.load %arg3[%swap3A_111] : memref<16xf32, #tpu.memory_space<smem>>
    memref.store %swap3A_110, %arg3[%swap3A_111] : memref<16xf32, #tpu.memory_space<smem>>
    %swap3A_113 = arith.constant 0.000000e+00 : f32
    %swap3A_114 = arith.constant 11 : index
    %swap3A_115 = memref.load %arg3[%swap3A_114] : memref<16xf32, #tpu.memory_space<smem>>
    memref.store %swap3A_113, %arg3[%swap3A_114] : memref<16xf32, #tpu.memory_space<smem>>
    %swap3A_116 = arith.constant 0.000000e+00 : f32
    %swap3A_117 = arith.constant 12 : index
    %swap3A_118 = memref.load %arg3[%swap3A_117] : memref<16xf32, #tpu.memory_space<smem>>
    memref.store %swap3A_116, %arg3[%swap3A_117] : memref<16xf32, #tpu.memory_space<smem>>
    %swap3A_119 = arith.constant 0.000000e+00 : f32
    %swap3A_120 = arith.constant 13 : index
    %swap3A_121 = memref.load %arg3[%swap3A_120] : memref<16xf32, #tpu.memory_space<smem>>
    memref.store %swap3A_119, %arg3[%swap3A_120] : memref<16xf32, #tpu.memory_space<smem>>
    %swap3A_122 = arith.constant 0.000000e+00 : f32
    %swap3A_123 = arith.constant 14 : index
    %swap3A_124 = memref.load %arg3[%swap3A_123] : memref<16xf32, #tpu.memory_space<smem>>
    memref.store %swap3A_122, %arg3[%swap3A_123] : memref<16xf32, #tpu.memory_space<smem>>
    %swap3A_125 = arith.constant 0.000000e+00 : f32
    %swap3A_126 = arith.constant 15 : index
    %swap3A_127 = memref.load %arg3[%swap3A_126] : memref<16xf32, #tpu.memory_space<smem>>
    memref.store %swap3A_125, %arg3[%swap3A_126] : memref<16xf32, #tpu.memory_space<smem>>
    return
  }
}

</mosaic_0001>

<sc_bundles>
// kernel: kernel.4.cloned.1.call-start
scs
__scs_entry_jumppad:
0x0: {  	(pc) =	sbr.rel $0x88, $3  }
0x1: {  	(tag) =	ssettag $0x0;
	lr =	simm.s32 $0x1  }
0x2: {  	[smem:$0x3F9C] =	sst lr;
	_ =	strace $0xD0000000  }
0x3: {  	_ = 	snop  }
0x4: {  	_ = 	snop  }
0x5: {  	_ = 	snop  }
0x6: {  	_ = 	snop  }
0x7: {  	_ = 	snop  }
__scs_overlays_trampoline_lowered:
0x8: {  	[smem:$0x3FAB] =	sst s0  }
0x9: {  	[smem:$0x3FAC] =	sst s1  }
0xa: {  	[smem:$0x3FAD] =	sst s2  }
0xb: {  	[smem:$0x3FAE] =	sst s3  }
0xc: {  	[smem:$0x3FAF] =	sst s4  }
0xd: {  	[smem:$0x3FB0] =	sst s5  }
0xe: {  	[smem:$0x3FB1] =	sst s6  }
0xf: {  	[smem:$0x3FB2] =	sst s7  }
0x10: {  	[smem:$0x3FB3] =	sst s8  }
0x11: {  	[smem:$0x3FB4] =	sst s9;
	s0 =	simm.s32 @!p0 $0x0  }
0x12: {  	s1 =	sld [smem:$0x3F9A];
	s0 =	simm.s32 @p0 $0x1  }
0x13: {  	[smem:$0x3FB5] =	sst s0;
	s0 =	simm.s32 @!p1 $0x0  }
0x14: {  	s2 =	sld [smem:$0x3F99];
	s0 =	simm.s32 @p1 $0x1  }
0x15: {  	[smem:$0x3FB6] =	sst s0;
	s0 =	simm.s32 @!p2 $0x0  }
0x16: {  	s3 =	sld [smem:$0x3FDB];
	s0 =	simm.s32 @p2 $0x1  }
0x17: {  	s4 =	simm.s32 $0x1BF5;
	[smem:$0x3FB8] =	sst s0  }
0x18: {  	s0 =	sld [smem:$0x3F9B];
	_ =	swait.ge [sflag:s4], $0x0  }
0x19: {  	s7 =	sld [smem:$0x3F9C]  }
0x1a: {  	s8 =	sadd.s32 $0xFFFFE003, lr  }
0x1b: {  	s9 =	sadd.s32 $0xFFFFFEF7, lr;
	s5 =	simm.s32 $0xFFFFFFFF;
	p2 =	slt.u32 s8, $0xFFFFF086  }
0x1c: {  	p1 =	slt.u32 s9, $0xF7A;
	s5 =	simm.s32 @!p2 $0x0  }
0x1d: {  	s5 =	simm.s32 @p1 $0x1;
	p0 =	seq.s32 s7, s2  }
0x1e: {  	s7 =	smul.u32 @!p0 $0xF7A, s2;
	p2 =	seq.s32 @!p0 s5, $0x0  }
0x1f: {  	s9 =	smul.u32 $0xF7A, s1;
	s8 =	simm.s32 @!p0 $0x1BF5;
	p2 =	por !p2, p0  }
0x20: {  	[sflag:s8] =	ssyncset.s32 @!p0 $0xFFFFF086;
	s6 =	sadd.s32 @!p0 s3, s7;
	s7 =	simm.s32 @!p0 $0x108  }
0x21: {  	s3 =	sadd.s32 s3, s9;
	s6 =	sadd.s32 @!p0 $0x88, s6;
	s7 =	simm.s32 @p2 $0x1082  }
0x22: {  	[simem:s7], [sflag:s8] =	dma.local @!p0 [hbm:s6], $0xF7A  }
0x23: {  	s9 =	sor.u32 $0xD0000000, s2;
	s6 =	simm.s32 $0x108;
	_ =	swait.ge @!p0 [sflag:s8], $0x0  }
0x24: {  	s3 =	sadd.s32 $0x88, s3;
	s6 =	simm.s32 @!p1 $0x1082;
	[sflag:s4] =	ssyncset.s32 $0xFFFFF086  }
0x25: {  	[simem:s6], [sflag:s4] =	dma.local [hbm:s3], $0xF7A  }
0x26: {  	[smem:$0x3F9C] =	sst s1;
	(tag) =	ssettag s2;
	_ =	strace s9  }
0x27: {  	s1 =	sld [smem:$0x3FAC]  }
0x28: {  	s2 =	sld [smem:$0x3FAD]  }
0x29: {  	s4 =	sld [smem:$0x3FAF]  }
0x2a: {  	p0 =	seq.s32 s5, $0x0;
	s5 =	sld [smem:$0x3FB0]  }
0x2b: {  	s6 =	sld [smem:$0x3FB1]  }
0x2c: {  	s7 =	sld [smem:$0x3FB2]  }
0x2d: {  	s3 =	simm.s32 $0x108;
	s8 =	sld [smem:$0x3FB3]  }
0x2e: {  	s3 =	simm.s32 @!p0 $0x1082;
	s9 =	sld [smem:$0x3FB4]  }
0x2f: {  	lr =	sadd.s32 s0, s3;
	s0 =	sld [smem:$0x3FAB]  }
0x30: {  	s3 =	sld [smem:$0x3FAE]  }
0x31: {  	[smem:$0x3FB7] =	sst s10  }
0x32: {  	s10 =	sld [smem:$0x3FB5];
	_ =	sdelay $0x3  }
0x33: {  	p0 =	seq.s32 s10, $0x1;
	s10 =	sld [smem:$0x3FB7];
	_ =	sdelay $0x3  }
0x34: {  	[smem:$0x3FB7] =	sst s10  }
0x35: {  	s10 =	sld [smem:$0x3FB6];
	_ =	sdelay $0x3  }
0x36: {  	p1 =	seq.s32 s10, $0x1;
	s10 =	sld [smem:$0x3FB7];
	_ =	sdelay $0x3  }
0x37: {  	[smem:$0x3FB7] =	sst s10  }
0x38: {  	s10 =	sld [smem:$0x3FB8]  }
0x39: {  	_ = 	snop;
	(pc) =	sbr.ind lr, $3  }
0x3a: {  	_ = 	snop  }
0x3b: {  	_ = 	snop  }
0x3c: {  	p2 =	seq.s32 s10, $0x1;
	s10 =	sld [smem:$0x3FB7]  }
0x3d: {  	_ =	shalt  }
0x3e: {  	_ =	shalt  }
0x3f: {  	_ =	shalt  }
0x40: {  	_ =	shalt  }
0x41: {  	_ =	shalt  }
0x42: {  	_ =	shalt  }
0x43: {  	_ =	shalt  }
0x44: {  	_ =	shalt  }
0x45: {  	_ =	shalt  }
0x46: {  	_ =	shalt  }
0x47: {  	_ =	shalt  }
0x48: {  	_ =	shalt  }
0x49: {  	_ =	shalt  }
0x4a: {  	_ =	shalt  }
0x4b: {  	_ =	shalt  }
0x4c: {  	_ =	shalt  }
0x4d: {  	_ =	shalt  }
0x4e: {  	_ =	shalt  }
0x4f: {  	_ =	shalt  }
0x50: {  	_ =	shalt  }
0x51: {  	_ =	shalt  }
0x52: {  	_ =	shalt  }
0x53: {  	_ =	shalt  }
0x54: {  	_ =	shalt  }
0x55: {  	_ =	shalt  }
0x56: {  	_ =	shalt  }
0x57: {  	_ =	shalt  }
0x58: {  	_ =	shalt  }
0x59: {  	_ =	shalt  }
0x5a: {  	_ =	shalt  }
0x5b: {  	_ =	shalt  }
0x5c: {  	_ =	shalt  }
0x5d: {  	_ =	shalt  }
0x5e: {  	_ =	shalt  }
0x5f: {  	_ =	shalt  }
0x60: {  	_ =	shalt  }
0x61: {  	_ =	shalt  }
0x62: {  	_ =	shalt  }
0x63: {  	_ =	shalt  }
0x64: {  	_ =	shalt  }
0x65: {  	_ =	shalt  }
0x66: {  	_ =	shalt  }
0x67: {  	_ =	shalt  }
0x68: {  	_ =	shalt  }
0x69: {  	_ =	shalt  }
0x6a: {  	_ =	shalt  }
0x6b: {  	_ =	shalt  }
0x6c: {  	_ =	shalt  }
0x6d: {  	_ =	shalt  }
0x6e: {  	_ =	shalt  }
0x6f: {  	_ =	shalt  }
0x70: {  	_ =	shalt  }
0x71: {  	_ =	shalt  }
0x72: {  	_ =	shalt  }
0x73: {  	_ =	shalt  }
0x74: {  	_ =	shalt  }
0x75: {  	_ =	shalt  }
0x76: {  	_ =	shalt  }
0x77: {  	_ =	shalt  }
0x78: {  	_ =	shalt  }
0x79: {  	_ =	shalt  }
0x7a: {  	_ =	shalt  }
0x7b: {  	_ =	shalt  }
0x7c: {  	_ =	shalt  }
0x7d: {  	_ =	shalt  }
0x7e: {  	_ =	shalt  }
0x7f: {  	_ =	shalt  }
0x80: {  	_ =	shalt  }
0x81: {  	_ =	shalt  }
0x82: {  	_ =	shalt  }
0x83: {  	_ =	shalt  }
0x84: {  	_ =	shalt  }
0x85: {  	_ =	shalt  }
0x86: {  	_ =	shalt  }
0x87: {  	_ =	shalt  }
.Lfunc_end0:
.L_simem_size_0:
called_computation_lowered:
.L_overlay_start_0:
0x88: {  	s2 =	sld [smem:$0x3FD9]  }
0x89: {  	s3 =	sld [smem:$0x3FFE];
	_ =	sdelay $0x1  }
0x8a: {  	s1 =	srdreg.scid  }
0x8b: {  	s0 =	sand.u32 $0x1, s1  }
0x8c: {  	s17 =	sshll.u32 s0, $0xA;
	s2 =	sadd.s32 s3, s2  }
0x8d: {  	s2 =	sadd.s32 s2, s17  }
0x8e: {  	[smem:$0x3FC3] =	sst s2  }
0x8f: {  	_ = 	snop  }
0x90: {  	s2 =	sld [smem:$0x3FC5]  }
0x91: {  	s18 =	sld [smem:$0x3FD0];
	(tm) =	ssettm $0x1  }
0x92: {  	s4 =	sld [smem:$0x3FFB];
	_ =	sdelay $0x3  }
0x93: {  	_ =	strace s4  }
0x94: {  	s4 =	sld [smem:$0x3FFC];
	_ =	sdelay $0x3  }
0x95: {  	_ =	strace s4  }
0x96: {  	s4 =	sld [smem:$0x3FFD];
	_ =	sdelay $0x3  }
0x97: {  	_ =	strace s4  }
0x98: {  	_ =	strace $0x8FFFFFFF  }
0x99: {  	s19 =	sld [smem:$0x3FDB];
	_ =	sdelay $0x1  }
0x9a: {  	s5 =	simm.s32 $_scs_section_size  }
0x9b: {  	s6 =	simm.s32 $_size__tile_overlayer_lowered;
	s7 =	simm.s32 $_tile_overlayer_lowered  }
0x9c: {  	s22 =	simm.s32 $0x1BFF;
	s21 =	sshll.u32 s7, $0x1;
	s4 =	sadd.s32 s5, s19  }
0x9d: {  	s8 =	simm.s32 $0x0;
	s20 =	sshll.u32 s6, $0x1;
	s6 =	sadd.s32 s21, s4  }
0x9e: {  	[timem:s8], [sflag:s22] =	dma.local [hbm:s6], s20  }
0x9f: {  	_ =	swait.ge [sflag:s22], s20  }
0xa0: {  	s5 =	ssub.s32 $0x0, s20;
	[sflag:s22] =	ssyncset.done $0x0  }
0xa1: {  	[sflag:s22] =	ssyncadd.s32 s5;
	_ =	sdelay $0x1  }
0xa2: {  	s23 =	simm.s32 $0x1B8B  }
0xa3: {  	_ =	swait.ge [sflag:s23], $0x1  }
0xa4: {  	[sflag:s23] =	ssyncset.done $0x0  }
0xa5: {  	s25 =	simm.s32 $0x1B8E;
	s24 =	sld [smem:$0x3FFE];
	[sflag:s23] =	ssyncadd.s32 $0xFFFFFFFF  }
0xa6: {  	s26 =	simm.s32 $execute0_lowered;
	[smem:$0x3FD2] =	sst s25  }
0xa7: {  	s6 =	sshll.u32 s26, $0x1;
	_ =	strace $0x80000046;
	[dreg:$0x1] =	wrdreg $0xFFFFFFFF  }
0xa8: {  	s28 =	simm.s32 $_size_execute0_lowered;
	s4 =	sadd.s32 s4, s6;
	[dreg:$0x0] =	wrdreg $0x0  }
0xa9: {  	s6 =	sshll.u32 s28, $0x1;
	[dreg:$0x2] =	wrdreg s4  }
0xaa: {  	[dreg:$0x3] =	wrdreg s6  }
0xab: {  	[dreg:$0x4] =	wrdreg $0xC0  }
0xac: {  	_ =	task [dreg:s8], $0x5FFFF  }
0xad: {  	[dreg:$0x1] =	wrdreg $0xFFFFFFFF  }
0xae: {  	[dreg:$0x0] =	wrdreg $0x60  }
0xaf: {  	[dreg:$0x2] =	wrdreg s24  }
0xb0: {  	[dreg:$0x3] =	wrdreg s2  }
0xb1: {  	[dreg:$0x4] =	wrdreg s18  }
0xb2: {  	[dreg:$0x5] =	wrdreg $0x9  }
0xb3: {  	_ =	task.clear_ibuf [dreg:s8], $0x6FFFF;
	_ =	strace $0x90000046  }
0xb4: {  	s29 =	simm.s32 $0x9;
	_ =	strace $0x80000048  }
0xb5: {  	_ =	swait.ge [sflag:s29], $0x1  }
0xb6: {  	[sflag:s29] =	ssyncadd.s32 $0xFFFFFFFF  }
0xb7: {  	_ =	strace $0x90000048  }
0xb8: {  	_ =	sfence  }
0xb9: {  	s30 =	sld [smem:$0x0];
	_ =	sdelay $0x2  }
0xba: {  	s31 =	sshll.u32 s1, $0xD;
	s1 =	sshrl.u32 s1, $0x2  }
0xbb: {  	s3 =	sand.u32 $0x4000, s31;
	s1 =	sadd.s32 s1, s30  }
0xbc: {  	s0 =	sor.u32 s3, s0;
	s1 =	sshll.u32 s1, $0x11  }
0xbd: {  	s0 =	sor.u32 s1, s0  }
0xbe: {  	s0 =	sadd.s32 $0x8F2B, s0  }
0xbf: {  	[sflag:s0] =	ssyncadd.remote.s32 $0x1  }
0xc0: {  	_ =	sfence.sel $0xFFFF  }
0xc1: {  	[dreg:$0x0] =	wrdreg $0xFFFFFFFF;
	(pc) =	sbr.abs _section_cstart, $3  }
0xc2: {  	[dreg:$0x1] =	wrdreg $0xFFFFFFFF  }
0xc3: {  	_ =	task.clear_ibuf [dreg:s8], $0x2FFFF;
	_ =	strace $0x9FFFFFFF  }
0xc4: {  	(tm) =	ssettm $0x7FFFFFFF  }
0xc5: {  	_ =	shalt  }
tec
execute0_lowered:
.L_overlay_start_1:
0x0: {  	(tag) =	ssettag $0x1  }
0x1: {  	s9 =	rddreg [dreg:$0x0]  }
0x2: {  	s1 =	rddreg [dreg:$0x1]  }
0x3: {  	s2 =	rddreg [dreg:$0x2]  }
0x4: {  	s0 =	rddreg [dreg:$0x3]  }
0x5: {  	s3 =	simm.s32 $0x0;
	s7 =	srdreg.scid;
	s4 =	stileid.u32  }
0x6: {  	s15 =	simm.s32 $0x18880;
	s16 =	simm.s32 $0x8000;
	s17 =	simm.s32 $0x10000  }
0x7: {  	s18 =	simm.s32 $0x18900;
	s19 =	simm.s32 $0x0;
	[smem:$0x7FF] =	sst s3  }
0x8: {  	s5 =	sadd.s32 $0x402400, s9;
	s6 =	sadd.s32 $0x482400, s9;
	s11 =	sand.u32 $0x1, s7  }
0x9: {  	s8 =	sshll.u32 s4, $0x1;
	s7 =	sadd.s32 $0x502400, s9;
	s30 =	sshll.u32 s4, $0xE  }
0xa: {  	_ =	strace $0x80000047;
	s10 =	sor.u32 s11, s8;
	s12 =	ssub.s32 $0x2, s11  }
0xb: {  	s8 =	sadd.s32 $0x2400, s9;
	s13 =	sshll.u32 s10, $0x5;
	s14 =	sshrl.u32 s12, $0x1  }
0xc: {  	s31 =	sshll.u32 s11, $0xD;
	s13 =	sadd.s32 s13, s9;
	s12 =	ssub.s32 s12, s14  }
0xd: {  	s9 =	sshll.u32 s10, $0xD;
	s14 =	simm.s32 $0x1;
	s10 =	sadd.s32 $0x2600, s13  }
0xe: {  	s11 =	smax.u32 s12, $0x1;
	s12 =	sor.u32 s31, s30;
	s13 =	simm.s32 $0x18800  }
.LBB2_1:
0xf: {  	[tilespmem:s13], [sflag:$0x1] =	stream.linear.gather [hbm4b:s2+s3], $0x80, $0x38;
	[tilespmem:$0x18A00] =	vst v63  }
0x10: {  	_ =	swait.ge [sflag:s14], $0x80  }
0x11: {  	[sflag:s14] =	ssyncset.done $0x0  }
0x12: {  	[sflag:s14] =	ssyncadd.s32 $0xFFFFFF80  }
0x13: {  	[tilespmem:s15], [sflag:$0x1] =	stream.linear.gather [hbm4b:s8+s3], $0x80, $0x38;
	[tilespmem:$0x18A00] =	vst v63  }
0x14: {  	_ =	swait.ge [sflag:s14], $0x80  }
0x15: {  	[sflag:s14] =	ssyncset.done $0x0  }
0x16: {  	[sflag:s14] =	ssyncadd.s32 $0xFFFFFF80  }
0x17: {  	v0 =	vld [tilespmem:$0x18880];
	_ =	sdelay $0x4  }
0x18: {  	(erf) = vrcp.f32 v0;
	_ =	sdelay $0x2  }
0x19: {  	v1 =	vld [tilespmem:$0x18800];
	_ =	sdelay $0x3  }
0x1a: {  	v42 =	vbroadcast v0, $0x0  }
0x1b: {  	v11 =	vbroadcast v1, $0x1  }
0x1c: {  	v41 =	vbroadcast v1, $0x0;
	[tilespmem:$0x1FFC0] =	vst v42;
	v2 =	vpop (erf)  }
0x1d: {  	[tilespmem:$0x1FFE0] =	vst v11;
	v48 =	vbroadcast v2, $0x1  }
0x1e: {  	v26 =	vimm.f32 $0.0e+00;
	v3 =	vimm.f32 $0.0e+00;
	[tilespmem:$0x1FFF0] =	vst v41  }
0x1f: {  	s20 =	smov.u32 s12;
	v5 =	vimm.f32 $0.0e+00;
	v6 =	vimm.f32 $0.0e+00;
	s21 =	simm.s32 $0x0;
	v1 =	vimm.f32 $0.0e+00;
	[tilespmem:$0x1FFD0] =	vst v48  }
.LBB2_2:
0x20: {  	[tilespmem:$0x1FF80] =	vst v26  }
0x21: {  	[tilespmem:$0x1FD40] =	vst v6;
	s22 =	sshll.u32 s21, $0xB  }
0x22: {  	[tilespmem:$0x1FD50] =	vst v5;
	s22 =	sadd.s32 s9, s22  }
0x23: {  	[tilespmem:$0x1FD60] =	vst v3;
	s23 =	sshll.u32 s22, $0x1  }
0x24: {  	[tilespmem:$0x1FD70] =	vst v1;
	s25 =	simm.s32 $0x0;
	s24 =	sadd.s32 s5, s23  }
0x25: {  	[tilespmem:s25], [sflag:$0x1] =	stream.linear.gather [hbm4b:s24+s25], $0x8000, $0x38;
	[tilespmem:$0x18A00] =	vst v63  }
0x26: {  	_ =	swait.ge [sflag:s14], $0x8000  }
0x27: {  	[sflag:s14] =	ssyncset.done $0x0  }
0x28: {  	s29 =	sadd.s32 s6, s23;
	[sflag:s14] =	ssyncadd.s32 $0xFFFF8000  }
0x29: {  	[tilespmem:s16], [sflag:$0x1] =	stream.linear.gather [hbm4b:s29+s25], $0x8000, $0x38;
	[tilespmem:$0x18A00] =	vst v63  }
0x2a: {  	_ =	swait.ge [sflag:s14], $0x8000  }
0x2b: {  	[sflag:s14] =	ssyncset.done $0x0  }
0x2c: {  	s23 =	sadd.s32 s7, s23;
	[sflag:s14] =	ssyncadd.s32 $0xFFFF8000  }
0x2d: {  	[tilespmem:s17], [sflag:$0x1] =	stream.linear.gather [hbm4b:s23+s25], $0x8000, $0x38;
	[tilespmem:$0x18A00] =	vst v63  }
0x2e: {  	_ =	swait.ge [sflag:s14], $0x8000  }
0x2f: {  	s22 =	sshrl.u32 s22, $0x3;
	[sflag:s14] =	ssyncset.done $0x0  }
0x30: {  	s30 =	sadd.s32 s1, s22;
	s22 =	simm.s32 $0x18000;
	[sflag:s14] =	ssyncadd.s32 $0xFFFF8000  }
0x31: {  	[tilespmem:s22], [sflag:$0x1] =	stream.linear.gather [hbm4b:s30+s25], $0x800, $0x38;
	[tilespmem:$0x18A00] =	vst v63  }
0x32: {  	_ =	swait.ge [sflag:s14], $0x800  }
0x33: {  	[sflag:s14] =	ssyncset.done $0x0  }
0x34: {  	s31 =	simm.s32 $0x0;
	[sflag:s14] =	ssyncadd.s32 $0xFFFFF800  }
0x35: {  	v0 =	vld [tilespmem:s31+$0xC0]  }
0x36: {  	v1 =	vld [tilespmem:s31+$0x100C0]  }
0x37: {  	v6 =	vld [tilespmem:s31+$0xF0]  }
0x38: {  	v7 =	vld [tilespmem:s31+$0x100F0]  }
0x39: {  	v8 =	vld [tilespmem:s31+$0x80]  }
0x3a: {  	v9 =	vld [tilespmem:s31+$0x10080]  }
0x3b: {  	v13 =	vld [tilespmem:s31+$0x90]  }
0x3c: {  	v15 =	vld [tilespmem:s31+$0x10090]  }
0x3d: {  	v16 =	vld [tilespmem:s31+$0xA0]  }
0x3e: {  	v17 =	vld [tilespmem:s31+$0x100A0]  }
0x3f: {  	v18 =	vld [tilespmem:s31+$0xB0]  }
0x40: {  	v19 =	vld [tilespmem:s31+$0x100B0]  }
0x41: {  	v20 =	vld [tilespmem:s31+$0x40]  }
0x42: {  	v21 =	vld [tilespmem:s31+$0x10040]  }
0x43: {  	v23 =	vld [tilespmem:s31+$0x50]  }
0x44: {  	v24 =	vld [tilespmem:s31+$0x10050]  }
0x45: {  	v25 =	vld [tilespmem:s31+$0x60]  }
0x46: {  	v26 =	vld [tilespmem:s31+$0x10060]  }
0x47: {  	v27 =	vld [tilespmem:s31+$0x70]  }
0x48: {  	v28 =	vld [tilespmem:s31+$0x10070]  }
0x49: {  	v29 =	vld [tilespmem:s31+$0x0]  }
0x4a: {  	v30 =	vld [tilespmem:s31+$0x10000];
	v10 =	vsub.f32 v1, v0;
	v0 =	vsub.f32 v9, v8  }
0x4b: {  	v31 =	vld [tilespmem:s31+$0x10]  }
0x4c: {  	v32 =	vld [tilespmem:s31+$0x10010];
	[tilespmem:$0x1FE70] =	vst v0;
	v0 =	vsub.f32 v15, v13  }
0x4d: {  	v33 =	vld [tilespmem:s31+$0x20]  }
0x4e: {  	v39 =	vld [tilespmem:s22+$0x0];
	[tilespmem:$0x1FE90] =	vst v0;
	v0 =	vsub.f32 v17, v16  }
0x4f: {  	v37 =	vld [tilespmem:s31+$0x80C0]  }
0x50: {  	v38 =	vld [tilespmem:s31+$0x80D0];
	[tilespmem:$0x1FEA0] =	vst v0;
	v0 =	vsub.f32 v19, v18  }
0x51: {  	v13 =	vld [tilespmem:s31+$0x80E0]  }
0x52: {  	v34 =	vld [tilespmem:s31+$0x10020];
	[tilespmem:$0x1FEB0] =	vst v0;
	v0 =	vsub.f32 v21, v20  }
0x53: {  	v15 =	vld [tilespmem:s31+$0x80F0]  }
0x54: {  	v40 =	vsub.f32 v7, v6;
	v16 =	vld [tilespmem:s31+$0x8080];
	v18 =	vmul.f32 v37, v37;
	[tilespmem:$0x1FEC0] =	vst v0;
	v0 =	vlaneseq.u32  }
0x55: {  	v17 =	vld [tilespmem:s31+$0x8090];
	v20 =	vmul.f32 v38, v38;
	v7 =	vor.u32 s20, v0;
	v0 =	vsub.f32 v24, v23  }
0x56: {  	v21 =	vsub.f32 v39, v42;
	v18 =	vadd.f32 v18, v37;
	v23 =	vld [tilespmem:s31+$0x80B0];
	v24 =	vmul.f32 v13, v13  }
0x57: {  	v20 =	vadd.f32 v20, v38;
	[tilespmem:$0x1FED0] =	vst v0;
	v0 =	vsub.f32 v26, v25;
	v25 =	vld [tilespmem:s31+$0x8040]  }
0x58: {  	v19 =	vld [tilespmem:s31+$0x80A0];
	(erf) = vrcp.f32 v18;
	v24 =	vadd.f32 v24, v13  }
0x59: {  	v35 =	vld [tilespmem:s31+$0x30];
	v21 =	vmul.f32 v21, v48;
	(erf) = vrcp.f32 v20;
	[tilespmem:$0x1FEE0] =	vst v0;
	v0 =	vsub.f32 v28, v27  }
0x5a: {  	v36 =	vld [tilespmem:s31+$0x10030];
	v27 =	vmul.f32 v15, v15;
	(erf) = vrcp.f32 v24  }
0x5b: {  	v28 =	vld [tilespmem:s31+$0x8050];
	v60 =	vmul.f32 v23, v23;
	[tilespmem:$0x1FEF0] =	vst v0;
	v0 =	vsub.f32 v30, v29;
	v29 =	vmul.f32 v16, v16  }
0x5c: {  	v18 =	vld [tilespmem:s31+$0x8060];
	v30 =	vmul.f32 v17, v17;
	v27 =	vadd.f32 v27, v15;
	v61 =	vmul.f32 v25, v25  }
0x5d: {  	v20 =	vld [tilespmem:s31+$0x8070];
	[tilespmem:$0x1FF00] =	vst v0;
	v0 =	vsub.f32 v32, v31;
	v31 =	vmul.f32 v19, v19;
	v29 =	vadd.f32 v29, v16  }
0x5e: {  	v24 =	vld [tilespmem:s31+$0x8000];
	v30 =	vadd.f32 v30, v17;
	(erf) = vrcp.f32 v27;
	v32 =	vadd.f32 v60, v23  }
0x5f: {  	v27 =	vld [tilespmem:s31+$0x8010];
	[tilespmem:$0x1FF10] =	vst v0;
	v0 =	vsub.f32 v34, v33;
	v31 =	vadd.f32 v31, v19;
	(erf) = vrcp.f32 v29  }
0x60: {  	v62 =	vmul.f32 v28, v28;
	v29 =	vld [tilespmem:s31+$0x8020];
	v33 =	vadd.f32 v61, v25;
	(erf) = vrcp.f32 v30  }
0x61: {  	v30 =	vmul.f32 v18, v18;
	[tilespmem:$0x1FF20] =	vst v0;
	v0 =	vsub.f32 v36, v35;
	v35 =	vld [tilespmem:s31+$0x8030];
	(erf) = vrcp.f32 v31  }
0x62: {  	v34 =	vadd.f32 v62, v28;
	v31 =	vmul.f32 v20, v20;
	(erf) = vrcp.f32 v32  }
0x63: {  	v63 =	vmul.f32 v24, v24;
	v30 =	vadd.f32 v30, v18;
	(erf) = vrcp.f32 v33  }
0x64: {  	v8 =	vpop (erf);
	v36 =	vmul.f32 v27, v27;
	v31 =	vadd.f32 v31, v20;
	(erf) = vrcp.f32 v34  }
0x65: {  	v9 =	vpop (erf);
	v32 =	vadd.f32 v63, v24;
	v42 =	vmul.f32 v29, v29;
	(erf) = vrcp.f32 v30  }
0x66: {  	v2 =	vld [tilespmem:s31+$0xD0];
	v45 =	vpop (erf);
	v30 =	vadd.f32 v36, v27;
	v43 =	vmul.f32 v35, v35;
	(erf) = vrcp.f32 v31  }
0x67: {  	v3 =	vld [tilespmem:s31+$0x100D0];
	v31 =	vadd.f32 v42, v29;
	v47 =	vpop (erf);
	(erf) = vrcp.f32 v32  }
0x68: {  	v4 =	vld [tilespmem:s31+$0xE0];
	v21 =	vmul.f32 $1.442695020e+00, v21;
	v44 =	vadd.f32 v43, v35;
	(erf) = vrcp.f32 v30;
	v48 =	vpop (erf)  }
0x69: {  	v5 =	vld [tilespmem:s31+$0x100E0];
	(erf) = vrcp.f32 v31;
	v49 =	vpop (erf)  }
0x6a: {  	(erf) = vrcp.f32 v44;
	v50 =	vpop (erf)  }
0x6b: {  	v52 =	vpop (erf);
	(erf) = vpow2.f32 v21  }
0x6c: {  	v21 =	vpop (erf)  }
0x6d: {  	v12 =	vsub.f32 v3, v2;
	v58 =	vpop (erf)  }
0x6e: {  	v14 =	vsub.f32 v5, v4;
	v46 =	vshra.s32 v39, $0x1F;
	v51 =	vsub.f32 $1.000000000e+00, v19;
	v60 =	vpop (erf)  }
0x6f: {  	vm0 =	vle.s32 v7, v11;
	v59 =	vsub.f32 $1.000000000e+00, v18;
	v55 =	vmul.f32 v8, v37;
	v62 =	vpop (erf)  }
0x70: {  	v56 =	vsub.f32 $1.000000000e+00, v28;
	v11 =	vmul.f32 v58, v28;
	v28 =	vand.u32 $0x7FFFFFFF, v46;
	v6 =	vpop (erf)  }
0x71: {  	v57 =	vmul.f32 v9, v38;
	v19 =	vmul.f32 v50, v19;
	v28 =	vxor.u32 v39, v28;
	v7 =	vpop (erf)  }
0x72: {  	v18 =	vmul.f32 v60, v18;
	vm1 =	vgt.s32 v28, v41;
	vm2 =	veq.s32 v28, v41;
	v5 =	vpop (erf)  }
0x73: {  	v30 =	vmul.f32 v11, v56;
	v56 =	vadd.f32 v55, v8;
	vm0 =	vmand vm0, vm2;
	v4 =	vpop (erf)  }
0x74: {  	v8 =	vadd.f32 v57, v9;
	v22 =	vmul.f32 v18, v59;
	vm0 =	vmor vm1, vm0;
	v59 =	vpop (erf)  }
0x75: {  	v39 =	vmul.f32 v19, v51;
	v51 =	vnsel vm0, $0x0, v59  }
0x76: {  	v12 =	vmul.f32 v8, v12;
	v8 =	vbroadcast v51, $0xA;
	_ =	sdelay $0x1  }
0x77: {  	[tilespmem:$0x1FDE0] =	vst v8;
	v8 =	vbroadcast v51, $0xB;
	_ =	sdelay $0x1  }
0x78: {  	[tilespmem:$0x1FDF0] =	vst v8;
	v8 =	vbroadcast v51, $0x4  }
0x79: {  	[tilespmem:$0x1FF30] =	vst v0  }
0x7a: {  	v0 =	vsub.f32 $1.000000000e+00, v13;
	v13 =	vmul.f32 v45, v13;
	[tilespmem:$0x1FE00] =	vst v8;
	v8 =	vbroadcast v51, $0x6  }
0x7b: {  	v26 =	vsub.f32 $1.000000000e+00, v37  }
0x7c: {  	v34 =	vsub.f32 $1.000000000e+00, v38;
	v38 =	vmul.f32 v13, v0;
	[tilespmem:$0x1FE20] =	vst v8;
	v8 =	vbroadcast v51, $0x7  }
0x7d: {  	v0 =	vsub.f32 $1.000000000e+00, v35;
	v43 =	vmul.f32 v55, v26;
	v2 =	vmul.f32 v4, v35  }
0x7e: {  	v26 =	vmul.f32 v57, v34;
	[tilespmem:$0x1FE30] =	vst v8;
	v8 =	vbroadcast v51, $0x0  }
0x7f: {  	v34 =	vmul.f32 v2, v0;
	v0 =	vbroadcast v51, $0xC  }
0x80: {  	[tilespmem:$0x1FE40] =	vst v8;
	v8 =	vbroadcast v51, $0x1  }
0x81: {  	[tilespmem:$0x1FD80] =	vst v0;
	v0 =	vadd.f32 v13, v45;
	v13 =	vbroadcast v51, $0xD  }
0x82: {  	[tilespmem:$0x1FE50] =	vst v8;
	v8 =	vbroadcast v51, $0x2  }
0x83: {  	v33 =	vsub.f32 $1.000000000e+00, v15;
	v15 =	vmul.f32 v47, v15;
	[tilespmem:$0x1FD90] =	vst v13;
	v13 =	vbroadcast v51, $0xE  }
0x84: {  	v31 =	vsub.f32 $1.000000000e+00, v16;
	v16 =	vmul.f32 v48, v16;
	[tilespmem:$0x1FE60] =	vst v8;
	v8 =	vld [tilespmem:$0x1FE70]  }
0x85: {  	v33 =	vmul.f32 v15, v33;
	[tilespmem:$0x1FDA0] =	vst v13;
	v13 =	vadd.f32 v15, v47;
	v15 =	vbroadcast v51, $0xF;
	_ =	sdelay $0x1  }
0x86: {  	[tilespmem:$0x1FDB0] =	vst v15;
	v15 =	vadd.f32 v16, v48;
	_ =	sdelay $0x1  }
0x87: {  	v15 =	vmul.f32 v15, v8;
	v8 =	vbroadcast v51, $0x3  }
0x88: {  	v46 =	vmul.f32 v16, v31;
	v16 =	vbroadcast v51, $0x8  }
0x89: {  	[tilespmem:$0x1FE80] =	vst v8;
	v8 =	vld [tilespmem:$0x1FE90]  }
0x8a: {  	v32 =	vsub.f32 $1.000000000e+00, v17;
	v17 =	vmul.f32 v49, v17;
	[tilespmem:$0x1FDC0] =	vst v16;
	v16 =	vbroadcast v51, $0x9;
	_ =	sdelay $0x1  }
0x8b: {  	[tilespmem:$0x1FDD0] =	vst v16;
	v16 =	vadd.f32 v17, v49;
	_ =	sdelay $0x1  }
0x8c: {  	v16 =	vmul.f32 v16, v8;
	v8 =	vld [tilespmem:$0x1FEA0]  }
0x8d: {  	v54 =	vsub.f32 $1.000000000e+00, v23  }
0x8e: {  	v42 =	vsub.f32 $1.000000000e+00, v29;
	v44 =	vsub.f32 $1.000000000e+00, v27;
	v1 =	vmul.f32 v7, v27  }
0x8f: {  	v3 =	vmul.f32 v5, v29;
	v29 =	vmul.f32 v17, v32;
	v17 =	vadd.f32 v19, v50  }
0x90: {  	v23 =	vmul.f32 v52, v23;
	v32 =	vmul.f32 v1, v44;
	v1 =	vadd.f32 v1, v7;
	v7 =	vld [tilespmem:$0x1FEB0]  }
0x91: {  	v53 =	vsub.f32 $1.000000000e+00, v25;
	v25 =	vmul.f32 v21, v25;
	v17 =	vmul.f32 v17, v8;
	v8 =	vld [tilespmem:$0x1FEC0]  }
0x92: {  	v14 =	vmul.f32 v0, v14;
	v0 =	vbroadcast v51, $0x5;
	_ =	sdelay $0x1  }
0x93: {  	[tilespmem:$0x1FE10] =	vst v0;
	v0 =	vadd.f32 v25, v21;
	v19 =	vadd.f32 v23, v52  }
0x94: {  	v41 =	vmul.f32 v3, v42;
	v2 =	vadd.f32 v2, v4;
	v4 =	vld [tilespmem:$0x1FEF0]  }
0x95: {  	v7 =	vmul.f32 v19, v7;
	v19 =	vmul.f32 v0, v8;
	v0 =	vadd.f32 v3, v5;
	v3 =	vld [tilespmem:$0x1FED0]  }
0x96: {  	v5 =	vld [tilespmem:$0x1FEE0]  }
0x97: {  	v61 =	vsub.f32 $1.000000000e+00, v20;
	v20 =	vmul.f32 v62, v20  }
0x98: {  	v11 =	vadd.f32 v11, v58  }
0x99: {  	v18 =	vadd.f32 v18, v60;
	v27 =	vmul.f32 v20, v61;
	v20 =	vadd.f32 v20, v62  }
0x9a: {  	v3 =	vmul.f32 v11, v3  }
0x9b: {  	v11 =	vmul.f32 v18, v5;
	v18 =	vmul.f32 v20, v4;
	v4 =	vld [tilespmem:$0x1FF00]  }
0x9c: {  	v63 =	vsub.f32 $1.000000000e+00, v24;
	v36 =	vmul.f32 v23, v54;
	v24 =	vmul.f32 v6, v24  }
0x9d: {  	v28 =	vmul.f32 v25, v53;
	v10 =	vmul.f32 v56, v10  }
0x9e: {  	v60 =	vmul.f32 v36, v36;
	v61 =	vmul.f32 v39, v39;
	v6 =	vadd.f32 v24, v6  }
0x9f: {  	v58 =	vmul.f32 v30, v30;
	v10 =	vmul.f32 v10, v10  }
0xa0: {  	v12 =	vmul.f32 v12, v12;
	v8 =	vmul.f32 v6, v4;
	v4 =	vld [tilespmem:$0x1FF10]  }
0xa1: {  	v31 =	vmul.f32 v24, v63;
	v37 =	vmul.f32 $-5.000000000e-01, v10  }
0xa2: {  	v10 =	vmul.f32 $-5.000000000e-01, v12;
	v14 =	vmul.f32 v14, v14  }
0xa3: {  	v63 =	vmul.f32 v46, v46;
	v13 =	vmul.f32 v13, v40  }
0xa4: {  	v62 =	vmul.f32 v29, v29;
	[tilespmem:$0x1FF60] =	vst v10;
	v10 =	vmul.f32 $-5.000000000e-01, v14  }
0xa5: {  	v13 =	vmul.f32 v13, v13;
	v1 =	vmul.f32 v1, v4;
	v4 =	vld [tilespmem:$0x1FF20]  }
0xa6: {  	v59 =	vmul.f32 v28, v28;
	v15 =	vmul.f32 v15, v15  }
0xa7: {  	[tilespmem:$0x1FF70] =	vst v10;
	v10 =	vmul.f32 $2.857142980e-01, v62;
	v56 =	vmul.f32 $-5.000000000e-01, v13  }
0xa8: {  	v7 =	vmul.f32 v7, v7;
	v57 =	vmul.f32 $-5.000000000e-01, v15  }
0xa9: {  	v55 =	vmul.f32 v3, v3;
	v3 =	vmul.f32 v11, v11;
	v11 =	vld [tilespmem:$0x1FF80]  }
0xaa: {  	v16 =	vmul.f32 v16, v16;
	v9 =	vmul.f32 v0, v4;
	v0 =	vld [tilespmem:$0x1FF30]  }
0xab: {  	v19 =	vmul.f32 v19, v19;
	v5 =	vmul.f32 v26, v26  }
0xac: {  	v20 =	vmul.f32 v17, v17;
	v6 =	vmul.f32 v43, v43  }
0xad: {  	v47 =	vmul.f32 v18, v18;
	v54 =	vmul.f32 v8, v8  }
0xae: {  	v52 =	vmul.f32 v1, v1;
	v1 =	vmul.f32 $2.857142980e-01, v6  }
0xaf: {  	v11 =	vadd.f32 v51, v11;
	v51 =	vmul.f32 $-5.000000000e-01, v7;
	v2 =	vmul.f32 v2, v0  }
0xb0: {  	v7 =	vmul.f32 v32, v32;
	v1 =	vadd.f32 $4.000000060e-01, v1;
	v4 =	vmul.f32 v38, v38  }
0xb1: {  	v48 =	vmul.f32 v2, v2;
	v2 =	vmul.f32 $2.857142980e-01, v5  }
0xb2: {  	v25 =	vmul.f32 v1, v6;
	v0 =	vmul.f32 v33, v33  }
0xb3: {  	[tilespmem:$0x1FF50] =	vst v3;
	v3 =	vmul.f32 $2.857142980e-01, v4;
	v17 =	vadd.f32 $4.000000060e-01, v2;
	v2 =	vmul.f32 $-5.000000000e-01, v16  }
0xb4: {  	v15 =	vadd.f32 $4.000000060e-01, v10;
	v1 =	vmul.f32 $2.857142980e-01, v61;
	v8 =	vmul.f32 $2.857142980e-01, v0  }
0xb5: {  	v21 =	vadd.f32 $4.000000060e-01, v3;
	v3 =	vmul.f32 $2.857142980e-01, v60;
	[tilespmem:$0x1FF90] =	vst v2;
	v2 =	vmul.f32 $-5.000000000e-01, v20  }
0xb6: {  	v50 =	vmul.f32 v9, v9;
	v9 =	vmul.f32 $2.857142980e-01, v63;
	v18 =	vadd.f32 $4.000000060e-01, v8  }
0xb7: {  	v16 =	vadd.f32 $4.000000060e-01, v3;
	v3 =	vmul.f32 $2.857142980e-01, v58;
	[tilespmem:$0x1FFA0] =	vst v2;
	v2 =	vmul.f32 $-5.000000000e-01, v19  }
0xb8: {  	v53 =	vmovc v28;
	v8 =	vmul.f32 v27, v27;
	v20 =	vadd.f32 $4.000000060e-01, v1;
	v1 =	vmul.f32 $2.857142980e-01, v59  }
0xb9: {  	v35 =	vmovc v26;
	v23 =	vadd.f32 $4.000000060e-01, v3;
	v3 =	vmul.f32 v34, v34;
	[tilespmem:$0x1FFB0] =	vst v2;
	v2 =	vmul.f32 v22, v22  }
0xba: {  	v42 =	vmovc v22;
	v28 =	vmovc v31;
	v12 =	vmul.f32 $2.857142980e-01, v8;
	v19 =	vadd.f32 $4.000000060e-01, v9;
	v9 =	vmul.f32 v31, v31  }
0xbb: {  	v44 =	vmovc v32;
	v45 =	vmovc v43;
	v24 =	vadd.f32 $4.000000060e-01, v1;
	v1 =	vmul.f32 v41, v41;
	v10 =	vmul.f32 $2.857142980e-01, v2  }
0xbc: {  	v40 =	vmovc v33;
	v49 =	vmovc v34;
	[tilespmem:$0x1FF80] =	vst v11;
	v11 =	vmul.f32 $2.857142980e-01, v7;
	v14 =	vadd.f32 $4.000000060e-01, v12;
	v13 =	vmul.f32 $2.857142980e-01, v9  }
0xbd: {  	s24 =	smov.u32 s20;
	s23 =	simm.s32 $0x400;
	[tilespmem:$0x1FF40] =	vst v30;
	v26 =	vmovc v41;
	v43 =	vmovc v27;
	v12 =	vmul.f32 $2.857142980e-01, v1;
	v22 =	vadd.f32 $4.000000060e-01, v10;
	v10 =	vmul.f32 $2.857142980e-01, v3  }
.LBB2_3:
0xbe: {  	v33 =	vmul.f32 $-5.000000000e-01, v47  }
0xbf: {  	v17 =	vmul.f32 v17, v5;
	v21 =	vmul.f32 v21, v4  }
0xc0: {  	v13 =	vadd.f32 $4.000000060e-01, v13;
	v19 =	vmul.f32 v19, v63;
	v18 =	vmul.f32 v18, v0  }
0xc1: {  	v11 =	vadd.f32 $4.000000060e-01, v11;
	v15 =	vmul.f32 v15, v62;
	v20 =	vmul.f32 v20, v61  }
0xc2: {  	v12 =	vadd.f32 $4.000000060e-01, v12;
	v24 =	vmul.f32 v24, v59;
	v16 =	vmul.f32 v16, v60  }
0xc3: {  	v27 =	vld [tilespmem:$0x1FF80];
	v10 =	vadd.f32 $4.000000060e-01, v10;
	v23 =	vmul.f32 v23, v58;
	v22 =	vmul.f32 v22, v2  }
0xc4: {  	v31 =	vld [tilespmem:$0x1FF50];
	v25 =	vadd.f32 $6.666666860e-01, v25;
	v14 =	vmul.f32 v14, v8;
	v17 =	vadd.f32 $6.666666860e-01, v17  }
0xc5: {  	v34 =	vld [tilespmem:$0x1FF60];
	v21 =	vadd.f32 $6.666666860e-01, v21;
	v13 =	vmul.f32 v13, v9;
	v19 =	vadd.f32 $6.666666860e-01, v19  }
0xc6: {  	v47 =	vld [tilespmem:$0x1FDD0];
	v18 =	vadd.f32 $6.666666860e-01, v18;
	v11 =	vmul.f32 v11, v7;
	v15 =	vadd.f32 $6.666666860e-01, v15  }
0xc7: {  	s25 =	sshra.s32 s23, $0x2;
	v41 =	vld [tilespmem:$0x1FE40];
	v20 =	vadd.f32 $6.666666860e-01, v20;
	v12 =	vmul.f32 v12, v1;
	v24 =	vadd.f32 $6.666666860e-01, v24  }
0xc8: {  	v30 =	vld [tilespmem:s25+$0x100A0];
	v16 =	vadd.f32 $6.666666860e-01, v16;
	v10 =	vmul.f32 v10, v3;
	v23 =	vadd.f32 $6.666666860e-01, v23  }
0xc9: {  	v22 =	vadd.f32 $6.666666860e-01, v22;
	v6 =	vmul.f32 v25, v6;
	v25 =	vld [tilespmem:s25+$0x10080];
	v5 =	vmul.f32 v17, v5  }
0xca: {  	v14 =	vadd.f32 $6.666666860e-01, v14;
	v17 =	vmul.f32 v19, v63;
	v19 =	vmul.f32 v24, v59;
	v24 =	vld [tilespmem:s25+$0x80]  }
0xcb: {  	v13 =	vadd.f32 $6.666666860e-01, v13;
	v4 =	vmul.f32 v21, v4;
	v16 =	vmul.f32 v16, v60;
	v60 =	vld [tilespmem:$0x1FF90]  }
0xcc: {  	v0 =	vmul.f32 v18, v0;
	v11 =	vadd.f32 $6.666666860e-01, v11;
	v18 =	vmul.f32 v20, v61;
	v61 =	vld [tilespmem:$0x1FFA0]  }
0xcd: {  	v15 =	vmul.f32 v15, v62;
	v12 =	vadd.f32 $6.666666860e-01, v12;
	v10 =	vadd.f32 $6.666666860e-01, v10;
	v63 =	vld [tilespmem:$0x1FFB0]  }
0xce: {  	v2 =	vmul.f32 v22, v2;
	v6 =	vadd.f32 $2.000000000e+00, v6;
	v62 =	vmul.f32 $-5.000000000e-01, v50;
	v50 =	vld [tilespmem:s25+$0x70]  }
0xcf: {  	v8 =	vmul.f32 v14, v8;
	v4 =	vadd.f32 $2.000000000e+00, v4;
	v12 =	vmul.f32 v12, v1;
	v1 =	vld [tilespmem:s25+$0xC0]  }
0xd0: {  	v7 =	vmul.f32 v11, v7;
	v11 =	vadd.f32 $2.000000000e+00, v18;
	v18 =	vadd.f32 $2.000000000e+00, v2;
	v2 =	vld [tilespmem:s25+$0x100C0]  }
0xd1: {  	v14 =	vadd.f32 $2.000000000e+00, v15;
	v15 =	vadd.f32 $2.000000000e+00, v16;
	v10 =	vmul.f32 v10, v3;
	v3 =	vld [tilespmem:s25+$0xD0]  }
0xd2: {  	v16 =	vadd.f32 $2.000000000e+00, v19;
	v19 =	vadd.f32 $2.000000000e+00, v8;
	v8 =	vmul.f32 v6, v45;
	v6 =	vld [tilespmem:s25+$0x100E0]  }
0xd3: {  	v20 =	vmul.f32 v23, v58;
	v5 =	vadd.f32 $2.000000000e+00, v5;
	v45 =	vld [tilespmem:$0x1FD90]  }
0xd4: {  	v9 =	vmul.f32 v13, v9;
	v22 =	vmul.f32 v4, v38;
	v4 =	vld [tilespmem:s25+$0x100D0]  }
0xd5: {  	v13 =	vadd.f32 $2.000000000e+00, v17;
	v17 =	vadd.f32 $2.000000000e+00, v20;
	v20 =	vmul.f32 v5, v35;
	v5 =	vld [tilespmem:s25+$0xE0]  }
0xd6: {  	v21 =	vadd.f32 $2.000000000e+00, v7;
	v7 =	vld [tilespmem:$0x1FF40]  }
0xd7: {  	v23 =	vsub.f32 $0.0e+00, v8;
	v8 =	vld [tilespmem:s25+$0x100F0]  }
0xd8: {  	v14 =	vmul.f32 v14, v29;
	v29 =	vmul.f32 $-5.000000000e-01, v55;
	v55 =	vld [tilespmem:$0x1FF70]  }
0xd9: {  	v0 =	vadd.f32 $2.000000000e+00, v0;
	v15 =	vmul.f32 v15, v36;
	v36 =	vld [tilespmem:s25+$0x40]  }
0xda: {  	v38 =	vld [tilespmem:s25+$0x10040]  }
0xdb: {  	v31 =	vmul.f32 $-5.000000000e-01, v31;
	v0 =	vmul.f32 v0, v40;
	v40 =	vld [tilespmem:s25+$0x50]  }
0xdc: {  	v9 =	vadd.f32 $2.000000000e+00, v9;
	v13 =	vmul.f32 v13, v46;
	v18 =	vmul.f32 v18, v42;
	v46 =	vld [tilespmem:$0x1FDC0]  }
0xdd: {  	v10 =	vadd.f32 $2.000000000e+00, v10;
	v19 =	vmul.f32 v19, v43;
	v43 =	vmul.f32 $-5.000000000e-01, v48;
	v48 =	vld [tilespmem:$0x1FE00]  }
0xde: {  	v12 =	vadd.f32 $2.000000000e+00, v12;
	v0 =	vsub.f32 $0.0e+00, v0;
	v21 =	vmul.f32 v21, v44;
	v44 =	vld [tilespmem:$0x1FD80]  }
0xdf: {  	v20 =	vsub.f32 $0.0e+00, v20;
	v18 =	vsub.f32 $0.0e+00, v18;
	v10 =	vmul.f32 v10, v49;
	v49 =	vld [tilespmem:$0x1FE10]  }
0xe0: {  	v13 =	vsub.f32 $0.0e+00, v13;
	v0 =	vsub.f32 v56, v0;
	v56 =	vld [tilespmem:$0x1FE50]  }
0xe1: {  	v11 =	vmul.f32 v11, v39;
	v19 =	vsub.f32 $0.0e+00, v19;
	v18 =	vsub.f32 v31, v18;
	v31 =	vld [tilespmem:s25+$0x10070]  }
0xe2: {  	v16 =	vmul.f32 v16, v53;
	v14 =	vsub.f32 $0.0e+00, v14;
	v13 =	vsub.f32 v57, v13;
	v57 =	vld [tilespmem:$0x1FE60]  }
0xe3: {  	v11 =	vsub.f32 $0.0e+00, v11;
	v19 =	vsub.f32 v33, v19;
	v33 =	vld [tilespmem:s25+$0x0]  }
0xe4: {  	v58 =	vmul.f32 $-5.000000000e-01, v54;
	v16 =	vsub.f32 $0.0e+00, v16;
	v14 =	vsub.f32 v60, v14;
	v60 =	vld [tilespmem:$0x1FD50]  }
0xe5: {  	v9 =	vmul.f32 v9, v28;
	v12 =	vmul.f32 v12, v26;
	v11 =	vsub.f32 v61, v11;
	v61 =	vld [tilespmem:$0x1FE20]  }
0xe6: {  	v59 =	vmul.f32 $-5.000000000e-01, v52;
	v21 =	vsub.f32 $0.0e+00, v21;
	v16 =	vsub.f32 v63, v16;
	v63 =	vld [tilespmem:$0x1FD60]  }
0xe7: {  	v9 =	vsub.f32 $0.0e+00, v9;
	v12 =	vsub.f32 $0.0e+00, v12;
	v17 =	vmul.f32 v17, v7;
	v7 =	vld [tilespmem:s25+$0xF0]  }
0xe8: {  	v20 =	vsub.f32 v34, v20;
	v21 =	vsub.f32 v59, v21;
	v59 =	vld [tilespmem:$0x1FD40]  }
0xe9: {  	v9 =	vsub.f32 v58, v9;
	v58 =	vld [tilespmem:$0x1FE80];
	v17 =	vsub.f32 $0.0e+00, v17  }
0xea: {  	v20 =	vmul.f32 v20, v45;
	v12 =	vsub.f32 v62, v12;
	v13 =	vmul.f32 v13, v46;
	v62 =	vld [tilespmem:s25+$0x10000]  }
0xeb: {  	v45 =	vld [tilespmem:$0x1FD70];
	v9 =	vmul.f32 v9, v41;
	v17 =	vsub.f32 v29, v17;
	v21 =	vmul.f32 v21, v56  }
0xec: {  	v14 =	vmul.f32 v14, v47;
	v16 =	vmul.f32 v16, v48;
	v46 =	vld [tilespmem:$0x1FE30]  }
0xed: {  	v47 =	vld [tilespmem:s25+$0x10];
	v17 =	vmul.f32 v17, v49;
	v9 =	vadd.f32 v9, v59;
	v21 =	vadd.f32 v21, v60  }
0xee: {  	v29 =	vld [tilespmem:s25+$0x10050]  }
0xef: {  	v9 =	vadd.f32 v16, v9;
	v16 =	vadd.f32 v17, v21;
	v17 =	vld [tilespmem:$0x1FDE0]  }
0xf0: {  	v12 =	vmul.f32 v12, v57;
	v57 =	vsub.f32 v2, v1;
	v1 =	vsub.f32 v4, v3;
	v3 =	vld [tilespmem:s25+$0x80D0]  }
0xf1: {  	v23 =	vsub.f32 v37, v23;
	v2 =	vsub.f32 v6, v5;
	v4 =	vld [tilespmem:s25+$0x80E0]  }
0xf2: {  	v10 =	vsub.f32 $0.0e+00, v10;
	v18 =	vmul.f32 v18, v61;
	v6 =	vld [tilespmem:$0x1FFE0];
	v12 =	vadd.f32 v12, v63;
	[tilespmem:$0x1FCC0] =	vst v1  }
0xf3: {  	v23 =	vmul.f32 v23, v44;
	v5 =	vsub.f32 v38, v36;
	v1 =	vld [tilespmem:s25+$0x80C0];
	[tilespmem:$0x1FCD0] =	vst v2;
	v2 =	vsub.f32 v8, v7  }
0xf4: {  	v8 =	vld [tilespmem:s25+$0x80A0];
	v12 =	vadd.f32 v18, v12;
	v9 =	vadd.f32 v13, v9;
	v11 =	vmul.f32 v11, v17  }
0xf5: {  	v18 =	vld [tilespmem:$0x1FDF0];
	[tilespmem:$0x1FCE0] =	vst v2;
	v2 =	vsub.f32 v25, v24;
	v13 =	vadd.f32 v14, v16  }
0xf6: {  	[tilespmem:$0x1FD00] =	vst v5;
	v9 =	vadd.f32 v23, v9;
	v11 =	vadd.f32 v11, v12;
	v12 =	vld [tilespmem:$0x1FDB0]  }
0xf7: {  	v15 =	vsub.f32 $0.0e+00, v15;
	v5 =	vsub.f32 v29, v40;
	v14 =	vld [tilespmem:$0x1FDA0];
	[tilespmem:$0x1FCF0] =	vst v2  }
0xf8: {  	v10 =	vsub.f32 v43, v10;
	v16 =	vld [tilespmem:s25+$0x10020];
	[tilespmem:$0x1FD40] =	vst v9;
	v9 =	vadd.f32 v20, v13  }
0xf9: {  	v22 =	vsub.f32 $0.0e+00, v22;
	[tilespmem:$0x1FD10] =	vst v5;
	v5 =	vld [tilespmem:s25+$0x80F0]  }
0xfa: {  	s24 =	sadd.s32 $0x10, s24;
	v15 =	vsub.f32 v51, v15;
	v10 =	vmul.f32 v10, v58;
	v2 =	vlaneseq.u32;
	[tilespmem:$0x1FD50] =	vst v9;
	v9 =	vld [tilespmem:s25+$0x10030]  }
0xfb: {  	v22 =	vsub.f32 v55, v22;
	v2 =	vor.u32 s24, v2;
	v0 =	vmul.f32 v0, v12;
	v12 =	vld [tilespmem:s25+$0x30]  }
0xfc: {  	v19 =	vmul.f32 v19, v46;
	v10 =	vadd.f32 v10, v45;
	vm0 =	vle.s32 v2, v6;
	v6 =	vld [tilespmem:s25+$0x8080]  }
0xfd: {  	v2 =	vsub.f32 v62, v33;
	v17 =	vld [tilespmem:s25+$0x10010];
	v14 =	vmul.f32 v22, v14  }
0xfe: {  	v48 =	vsub.f32 v31, v50;
	v10 =	vadd.f32 v19, v10;
	v15 =	vmul.f32 v15, v18;
	v18 =	vld [tilespmem:s25+$0x20]  }
0xff: {  	v7 =	vld [tilespmem:s25+$0x8090];
	[tilespmem:$0x1FD20] =	vst v2;
	v2 =	vmul.f32 v1, v1;
	v13 =	vmul.f32 v4, v4;
	v11 =	vadd.f32 v14, v11  }
0x100: {  	[tilespmem:$0x1FF80] =	vst v27;
	v27 =	vld [tilespmem:s25+$0x10090];
	v10 =	vadd.f32 v15, v10;
	v50 =	vsub.f32 v9, v12;
	v9 =	vmul.f32 v3, v3  }
0x101: {  	v19 =	vmul.f32 v8, v8;
	v13 =	vadd.f32 v13, v4;
	[tilespmem:$0x1FD60] =	vst v11;
	v11 =	vld [tilespmem:s25+$0x80B0];
	v12 =	vadd.f32 v2, v1  }
0x102: {  	v15 =	vmul.f32 v5, v5;
	v14 =	vld [tilespmem:s25+$0x8040];
	v53 =	vsub.f32 v17, v47;
	v9 =	vadd.f32 v9, v3  }
0x103: {  	v47 =	vsub.f32 v16, v18;
	v16 =	vld [tilespmem:s25+$0x8050];
	v17 =	vmul.f32 v6, v6;
	(erf) = vrcp.f32 v12  }
0x104: {  	v18 =	vmul.f32 v7, v7;
	v15 =	vadd.f32 v15, v5;
	v12 =	vld [tilespmem:s25+$0x8060];
	(erf) = vrcp.f32 v9  }
0x105: {  	v19 =	vadd.f32 v19, v8;
	v17 =	vadd.f32 v17, v6;
	v9 =	vld [tilespmem:s25+$0x8070];
	(erf) = vrcp.f32 v13  }
0x106: {  	v18 =	vadd.f32 v18, v7;
	v20 =	vmul.f32 v11, v11;
	v13 =	vld [tilespmem:s25+$0x8000];
	(erf) = vrcp.f32 v15  }
0x107: {  	v26 =	vld [tilespmem:s25+$0xA0];
	v0 =	vadd.f32 v0, v10;
	v21 =	vmul.f32 v14, v14;
	(erf) = vrcp.f32 v17  }
0x108: {  	v28 =	vld [tilespmem:s25+$0x90];
	v22 =	vmul.f32 v16, v16;
	v20 =	vadd.f32 v20, v11;
	(erf) = vrcp.f32 v18  }
0x109: {  	v21 =	vadd.f32 v21, v14;
	v23 =	vmul.f32 v12, v12;
	(erf) = vrcp.f32 v19  }
0x10a: {  	s22 =	sadd.s32 $0x10, s22;
	v10 =	vld [tilespmem:$0x1FFC0];
	v24 =	vadd.f32 v22, v16;
	v22 =	vmul.f32 v9, v9;
	(erf) = vrcp.f32 v20  }
0x10b: {  	[tilespmem:$0x1FD70] =	vst v0;
	v0 =	vld [tilespmem:s22+$0x0];
	v23 =	vadd.f32 v23, v12;
	v20 =	vmul.f32 v13, v13;
	(erf) = vrcp.f32 v21  }
0x10c: {  	v55 =	vsub.f32 v30, v26;
	v15 =	vld [tilespmem:s25+$0x8010];
	v26 =	vadd.f32 v22, v9;
	(erf) = vrcp.f32 v24  }
0x10d: {  	v54 =	vsub.f32 v27, v28;
	v17 =	vld [tilespmem:s25+$0x8020];
	v19 =	vpop (erf);
	v27 =	vadd.f32 v20, v13;
	(erf) = vrcp.f32 v23  }
0x10e: {  	v18 =	vld [tilespmem:s25+$0x8030];
	v49 =	vpop (erf);
	(erf) = vrcp.f32 v26  }
0x10f: {  	v22 =	vpop (erf);
	(erf) = vrcp.f32 v27;
	v27 =	vld [tilespmem:$0x1FFD0];
	_ =	sdelay $0x1  }
0x110: {  	v21 =	vmul.f32 v15, v15  }
0x111: {  	v10 =	vsub.f32 v0, v10;
	v24 =	vmul.f32 v17, v17  }
0x112: {  	v23 =	vadd.f32 v21, v15;
	v25 =	vmul.f32 v18, v18  }
0x113: {  	v29 =	vadd.f32 v24, v17;
	v20 =	vpop (erf);
	v10 =	vmul.f32 v10, v27  }
0x114: {  	v30 =	vadd.f32 v25, v18;
	(erf) = vrcp.f32 v23;
	v21 =	vpop (erf)  }
0x115: {  	(erf) = vrcp.f32 v29;
	v24 =	vpop (erf);
	v23 =	vmul.f32 $1.442695020e+00, v10  }
0x116: {  	v39 =	vld [tilespmem:s25+$0x10060];
	(erf) = vrcp.f32 v30;
	v25 =	vpop (erf)  }
0x117: {  	v37 =	vld [tilespmem:s25+$0x60];
	v26 =	vsub.f32 $1.000000000e+00, v3;
	v3 =	vmul.f32 v49, v3;
	v58 =	vpop (erf);
	(erf) = vpow2.f32 v23  }
0x118: {  	v10 =	vpop (erf)  }
0x119: {  	v41 =	vmul.f32 v3, v26;
	v26 =	vld [tilespmem:$0x1FFF0];
	v60 =	vpop (erf)  }
0x11a: {  	v62 =	vpop (erf)  }
0x11b: {  	v30 =	vshra.s32 v0, $0x1F;
	v35 =	vpop (erf)  }
0x11c: {  	v52 =	vsub.f32 v39, v37;
	v2 =	vsub.f32 $1.000000000e+00, v1;
	v30 =	vand.u32 $0x7FFFFFFF, v30;
	v37 =	vpop (erf)  }
0x11d: {  	v0 =	vxor.u32 v0, v30;
	v39 =	vpop (erf)  }
0x11e: {  	v1 =	vmul.f32 v19, v1;
	vm2 =	veq.s32 v0, v26;
	v42 =	vpop (erf)  }
0x11f: {  	vm1 =	vgt.s32 v0, v26;
	vm0 =	vmand vm0, vm2;
	v44 =	vpop (erf)  }
0x120: {  	v45 =	vmul.f32 v1, v2;
	vm0 =	vmor vm1, vm0;
	v2 =	vpop (erf)  }
0x121: {  	v2 =	vnsel vm0, $0x0, v2  }
0x122: {  	v0 =	vadd.f32 v1, v19;
	v1 =	vadd.f32 v3, v49;
	v3 =	vbroadcast v2, $0xC;
	_ =	sdelay $0x1  }
0x123: {  	v28 =	vsub.f32 $1.000000000e+00, v4;
	v4 =	vmul.f32 v22, v4;
	[tilespmem:$0x1FD80] =	vst v3;
	v3 =	vbroadcast v2, $0xD  }
0x124: {  	v51 =	vsub.f32 $1.000000000e+00, v5;
	v5 =	vmul.f32 v20, v5  }
0x125: {  	v30 =	vmul.f32 v4, v28;
	[tilespmem:$0x1FD90] =	vst v3;
	v3 =	vadd.f32 v4, v22;
	v4 =	vbroadcast v2, $0xE  }
0x126: {  	v51 =	vmul.f32 v5, v51;
	v27 =	vsub.f32 $1.000000000e+00, v6  }
0x127: {  	v6 =	vmul.f32 v21, v6;
	[tilespmem:$0x1FDA0] =	vst v4;
	v4 =	vadd.f32 v5, v20;
	v5 =	vbroadcast v2, $0xF;
	_ =	sdelay $0x1  }
0x128: {  	v46 =	vmul.f32 v6, v27;
	[tilespmem:$0x1FDB0] =	vst v5;
	v5 =	vadd.f32 v6, v21;
	v6 =	vbroadcast v2, $0x8;
	_ =	sdelay $0x1  }
0x129: {  	v32 =	vld [tilespmem:s25+$0xB0];
	v31 =	vsub.f32 $1.000000000e+00, v7;
	v7 =	vmul.f32 v24, v7;
	[tilespmem:$0x1FDC0] =	vst v6;
	v6 =	vbroadcast v2, $0x9  }
0x12a: {  	v34 =	vld [tilespmem:s25+$0x100B0]  }
0x12b: {  	v29 =	vmul.f32 v7, v31;
	[tilespmem:$0x1FDD0] =	vst v6;
	v6 =	vadd.f32 v7, v24;
	v7 =	vbroadcast v2, $0xA;
	_ =	sdelay $0x1  }
0x12c: {  	[tilespmem:$0x1FDE0] =	vst v7;
	v7 =	vbroadcast v2, $0xB;
	_ =	sdelay $0x1  }
0x12d: {  	v56 =	vsub.f32 v34, v32;
	v32 =	vsub.f32 $1.000000000e+00, v8;
	[tilespmem:$0x1FDF0] =	vst v7;
	v7 =	vbroadcast v2, $0x4  }
0x12e: {  	v34 =	vsub.f32 $1.000000000e+00, v11;
	v8 =	vmul.f32 v25, v8;
	v11 =	vmul.f32 v58, v11  }
0x12f: {  	v33 =	vsub.f32 $1.000000000e+00, v14;
	[tilespmem:$0x1FE00] =	vst v7;
	v7 =	vbroadcast v2, $0x5  }
0x130: {  	v59 =	vsub.f32 $1.000000000e+00, v16;
	v28 =	vmul.f32 v8, v32;
	v26 =	vmul.f32 v11, v34  }
0x131: {  	v14 =	vmul.f32 v10, v14;
	[tilespmem:$0x1FE10] =	vst v7;
	v7 =	vadd.f32 v8, v25;
	v8 =	vbroadcast v2, $0x6  }
0x132: {  	v61 =	vsub.f32 $1.000000000e+00, v12;
	v16 =	vmul.f32 v60, v16;
	v12 =	vmul.f32 v62, v12  }
0x133: {  	v63 =	vsub.f32 $1.000000000e+00, v9;
	v27 =	vmul.f32 v14, v33;
	[tilespmem:$0x1FE20] =	vst v8;
	v8 =	vbroadcast v2, $0x7  }
0x134: {  	v10 =	vadd.f32 v14, v10;
	v14 =	vmul.f32 v0, v57;
	v9 =	vmul.f32 v35, v9  }
0x135: {  	v31 =	vmul.f32 v16, v59;
	[tilespmem:$0x1FE30] =	vst v8;
	v8 =	vadd.f32 v11, v58;
	v11 =	vbroadcast v2, $0x0  }
0x136: {  	v36 =	vsub.f32 $1.000000000e+00, v13;
	v13 =	vmul.f32 v37, v13;
	v32 =	vmul.f32 v12, v61  }
0x137: {  	v12 =	vadd.f32 v12, v62;
	v62 =	vmul.f32 v29, v29;
	[tilespmem:$0x1FE40] =	vst v11;
	v11 =	vbroadcast v2, $0x1  }
0x138: {  	v0 =	vld [tilespmem:$0x1FCC0];
	v61 =	vmul.f32 v28, v28;
	v59 =	vmul.f32 v27, v27  }
0x139: {  	v14 =	vmul.f32 v14, v14;
	[tilespmem:$0x1FE50] =	vst v11;
	v11 =	vbroadcast v2, $0x2  }
0x13a: {  	v38 =	vsub.f32 $1.000000000e+00, v15;
	v15 =	vmul.f32 v39, v15;
	v33 =	vmul.f32 v9, v63  }
0x13b: {  	v63 =	vmul.f32 v46, v46;
	[tilespmem:$0x1FE60] =	vst v11;
	v11 =	vbroadcast v2, $0x3  }
0x13c: {  	v40 =	vsub.f32 $1.000000000e+00, v17;
	v17 =	vmul.f32 v42, v17;
	v36 =	vmul.f32 v13, v36  }
0x13d: {  	v12 =	vmul.f32 v12, v52;
	[tilespmem:$0x1FE80] =	vst v11;
	v11 =	vadd.f32 v16, v60;
	v16 =	vmul.f32 v1, v0;
	v1 =	vld [tilespmem:$0x1FCD0]  }
0x13e: {  	v43 =	vsub.f32 $1.000000000e+00, v18;
	v18 =	vmul.f32 v44, v18;
	v38 =	vmul.f32 v15, v38  }
0x13f: {  	v23 =	vld [tilespmem:$0x1FF80];
	v40 =	vmul.f32 v17, v40;
	v21 =	vmul.f32 v6, v54  }
0x140: {  	v49 =	vmul.f32 v18, v43;
	v43 =	vmul.f32 $2.857142980e-01, v61  }
0x141: {  	v6 =	vmul.f32 v45, v45;
	v21 =	vmul.f32 v21, v21  }
0x142: {  	v22 =	vmul.f32 v8, v56;
	v19 =	vmul.f32 v3, v1;
	v1 =	vld [tilespmem:$0x1FCE0]  }
0x143: {  	v58 =	vmul.f32 v31, v31;
	v8 =	vmul.f32 v33, v33;
	v3 =	vld [tilespmem:$0x1FCF0]  }
0x144: {  	v23 =	vadd.f32 v2, v23;
	v22 =	vmul.f32 v22, v22;
	v2 =	vmul.f32 v32, v32  }
0x145: {  	v0 =	vadd.f32 v9, v35;
	v60 =	vmul.f32 v26, v26;
	v9 =	vmul.f32 v36, v36  }
0x146: {  	v35 =	vmul.f32 $2.857142980e-01, v8;
	v16 =	vmul.f32 v16, v16  }
0x147: {  	v19 =	vmul.f32 v19, v19;
	v20 =	vmul.f32 v4, v1;
	v1 =	vadd.f32 v13, v37  }
0x148: {  	v13 =	vmul.f32 v5, v3;
	v3 =	vadd.f32 v15, v39;
	v15 =	vmul.f32 v7, v55  }
0x149: {  	v4 =	vadd.f32 v17, v42;
	v17 =	vmul.f32 v0, v48;
	v7 =	vmul.f32 v38, v38  }
0x14a: {  	[tilespmem:$0x1FF40] =	vst v31;
	v31 =	vmovc v33;
	v33 =	vmov v38;
	v38 =	vmul.f32 $2.857142980e-01, v58;
	v37 =	vmul.f32 $-5.000000000e-01, v14  }
0x14b: {  	[tilespmem:$0x1FF80] =	vst v23;
	v5 =	vld [tilespmem:$0x1FD00];
	v14 =	vmul.f32 $-5.000000000e-01, v16;
	v23 =	vmul.f32 v3, v53  }
0x14c: {  	v24 =	vmul.f32 v4, v47;
	v4 =	vmul.f32 v30, v30  }
0x14d: {  	v3 =	vmul.f32 v49, v49;
	v20 =	vmul.f32 v20, v20  }
0x14e: {  	v34 =	vmovc v30;
	v30 =	vmov v29;
	v39 =	vmul.f32 v13, v13;
	v47 =	vmul.f32 v17, v17  }
0x14f: {  	v0 =	vld [tilespmem:$0x1FD20];
	v29 =	vmovc v26;
	v26 =	vmovc v32;
	v32 =	vmov v36;
	v53 =	vmul.f32 $2.857142980e-01, v59;
	v36 =	vmul.f32 $2.857142980e-01, v2  }
0x150: {  	v13 =	vmul.f32 $2.857142980e-01, v9;
	v10 =	vmul.f32 v10, v5;
	v5 =	vld [tilespmem:$0x1FD10]  }
0x151: {  	[tilespmem:$0x1FF60] =	vst v14;
	v14 =	vmul.f32 $-5.000000000e-01, v19;
	v52 =	vmul.f32 v23, v23  }
0x152: {  	v42 =	vmul.f32 v10, v10;
	v10 =	vmul.f32 v12, v12  }
0x153: {  	[tilespmem:$0x1FF70] =	vst v14;
	v56 =	vmul.f32 $-5.000000000e-01, v20;
	v57 =	vmul.f32 $-5.000000000e-01, v39  }
0x154: {  	v14 =	vmul.f32 $-5.000000000e-01, v21;
	[tilespmem:$0x1FF50] =	vst v10;
	v10 =	vmul.f32 $2.857142980e-01, v3  }
0x155: {  	v11 =	vmul.f32 v11, v5;
	v5 =	vadd.f32 v18, v44;
	v18 =	vmul.f32 v1, v0  }
0x156: {  	v0 =	vmul.f32 v51, v51;
	v1 =	vmul.f32 v40, v40  }
0x157: {  	[tilespmem:$0x1FD30] =	vst v41;
	v44 =	vmul.f32 $2.857142980e-01, v60;
	v25 =	vmul.f32 v5, v50  }
0x158: {  	v5 =	vmul.f32 v41, v41;
	v41 =	vmovc v28;
	v28 =	vmovc v27;
	v27 =	vmov v40;
	v40 =	vmul.f32 v15, v15  }
0x159: {  	v55 =	vmul.f32 v11, v11;
	v54 =	vmul.f32 v18, v18  }
0x15a: {  	v50 =	vmul.f32 v24, v24;
	v15 =	vmul.f32 $2.857142980e-01, v6  }
0x15b: {  	v18 =	vmul.f32 $2.857142980e-01, v4;
	v23 =	vmul.f32 $2.857142980e-01, v0  }
0x15c: {  	v20 =	vadd.f32 $4.000000060e-01, v43;
	v24 =	vmul.f32 $2.857142980e-01, v63;
	v11 =	vmul.f32 $2.857142980e-01, v7  }
0x15d: {  	[tilespmem:$0x1FF90] =	vst v14;
	v14 =	vadd.f32 $4.000000060e-01, v35;
	v12 =	vmul.f32 $2.857142980e-01, v1;
	v48 =	vmul.f32 v25, v25  }
0x15e: {  	p0 =	sne.s32 s23, $0x1FC00;
	v17 =	vmul.f32 $2.857142980e-01, v5;
	v39 =	vadd.f32 $4.000000060e-01, v15;
	v21 =	vadd.f32 $4.000000060e-01, v18  }
.Ltmp0:
0x15f: {  	v43 =	vmovc v31;
	v25 =	vmul.f32 $2.857142980e-01, v62;
	v18 =	vadd.f32 $4.000000060e-01, v23;
	v19 =	vadd.f32 $4.000000060e-01, v24;
	(pc) =	sbr.rel @p0 .LBB2_3-.Ltmp0, $4  }
0x160: {  	v16 =	vmul.f32 $-5.000000000e-01, v40;
	v24 =	vadd.f32 $4.000000060e-01, v53;
	v53 =	vmovc v28;
	v23 =	vadd.f32 $4.000000060e-01, v38;
	v38 =	vmovc v34  }
0x161: {  	v28 =	vmovc v32;
	v17 =	vadd.f32 $4.000000060e-01, v17;
	v40 =	vmovc v51;
	v51 =	vmul.f32 $-5.000000000e-01, v22;
	v22 =	vmul.f32 $-5.000000000e-01, v42  }
0x162: {  	v15 =	vadd.f32 $4.000000060e-01, v25;
	[tilespmem:$0x1FFA0] =	vst v16;
	v16 =	vadd.f32 $4.000000060e-01, v44;
	v42 =	vmovc v26;
	v44 =	vmovc v33;
	v26 =	vmov v27  }
0x163: {  	s23 =	sadd.s32 $0x400, s23;
	v35 =	vld [tilespmem:$0x1FD30];
	v25 =	vmul.f32 v39, v6;
	[tilespmem:$0x1FFB0] =	vst v22;
	v22 =	vadd.f32 $4.000000060e-01, v36;
	v36 =	vmovc v29;
	v29 =	vmovc v30;
	v39 =	vmov v41  }
0x164: {  	v17 =	vmul.f32 v17, v5;
	v21 =	vmul.f32 v21, v4  }
0x165: {  	v18 =	vmul.f32 v18, v0;
	v32 =	vmul.f32 v19, v63  }
0x166: {  	v15 =	vmul.f32 v15, v62;
	v33 =	vmul.f32 v20, v61;
	v13 =	vadd.f32 $4.000000060e-01, v13  }
0x167: {  	v34 =	vmul.f32 v24, v59;
	v11 =	vadd.f32 $4.000000060e-01, v11;
	v12 =	vadd.f32 $4.000000060e-01, v12  }
0x168: {  	v16 =	vmul.f32 v16, v60;
	v10 =	vadd.f32 $4.000000060e-01, v10;
	v25 =	vadd.f32 $6.666666860e-01, v25  }
0x169: {  	v41 =	vmul.f32 v23, v58;
	v17 =	vadd.f32 $6.666666860e-01, v17;
	v21 =	vadd.f32 $6.666666860e-01, v21  }
0x16a: {  	v14 =	vmul.f32 v14, v8;
	v18 =	vadd.f32 $6.666666860e-01, v18;
	v15 =	vadd.f32 $6.666666860e-01, v15  }
0x16b: {  	v19 =	vadd.f32 $6.666666860e-01, v34;
	v13 =	vmul.f32 v13, v9;
	v11 =	vmul.f32 v11, v7  }
0x16c: {  	v16 =	vadd.f32 $6.666666860e-01, v16;
	v12 =	vmul.f32 v12, v1;
	v10 =	vmul.f32 v10, v3  }
0x16d: {  	v20 =	vadd.f32 $6.666666860e-01, v41;
	v41 =	vmul.f32 $-5.000000000e-01, v52;
	v52 =	vmul.f32 $-5.000000000e-01, v47  }
0x16e: {  	v14 =	vadd.f32 $6.666666860e-01, v14;
	v6 =	vmul.f32 v25, v6;
	v5 =	vmul.f32 v17, v5  }
0x16f: {  	v4 =	vmul.f32 v21, v4;
	v0 =	vmul.f32 v18, v0;
	v17 =	vadd.f32 $6.666666860e-01, v32  }
0x170: {  	v18 =	vadd.f32 $6.666666860e-01, v33;
	v15 =	vmul.f32 v15, v62;
	v16 =	vmul.f32 v16, v60  }
0x171: {  	v19 =	vmul.f32 v19, v59;
	v20 =	vmul.f32 v20, v58;
	v13 =	vadd.f32 $6.666666860e-01, v13  }
0x172: {  	v11 =	vadd.f32 $6.666666860e-01, v11;
	v8 =	vmul.f32 v14, v8;
	v12 =	vadd.f32 $6.666666860e-01, v12  }
0x173: {  	v10 =	vadd.f32 $6.666666860e-01, v10;
	v17 =	vmul.f32 v17, v63;
	v18 =	vmul.f32 v18, v61  }
0x174: {  	v6 =	vadd.f32 $2.000000000e+00, v6;
	v63 =	vmul.f32 v22, v2;
	v9 =	vmul.f32 v13, v9  }
0x175: {  	v7 =	vmul.f32 v11, v7;
	v5 =	vadd.f32 $2.000000000e+00, v5;
	v4 =	vadd.f32 $2.000000000e+00, v4  }
0x176: {  	v1 =	vmul.f32 v12, v1;
	v0 =	vadd.f32 $2.000000000e+00, v0;
	v11 =	vadd.f32 $2.000000000e+00, v15  }
0x177: {  	v3 =	vmul.f32 v10, v3;
	v30 =	vadd.f32 $2.000000000e+00, v16;
	v32 =	vadd.f32 $2.000000000e+00, v19  }
0x178: {  	v31 =	vld [tilespmem:$0x1FF60];
	v34 =	vadd.f32 $2.000000000e+00, v20;
	v8 =	vadd.f32 $2.000000000e+00, v8;
	v6 =	vmul.f32 v6, v45  }
0x179: {  	v33 =	vld [tilespmem:$0x1FF70];
	v21 =	vadd.f32 $6.666666860e-01, v63;
	v5 =	vmul.f32 v5, v35;
	v4 =	vmul.f32 v4, v38  }
0x17a: {  	v58 =	vld [tilespmem:$0x1FD50];
	v10 =	vadd.f32 $2.000000000e+00, v17;
	v0 =	vmul.f32 v0, v40;
	v11 =	vmul.f32 v11, v29  }
0x17b: {  	v59 =	vld [tilespmem:$0x1FE20];
	v23 =	vadd.f32 $2.000000000e+00, v18;
	v13 =	vmul.f32 v30, v36;
	v14 =	vmul.f32 v32, v53  }
0x17c: {  	v60 =	vld [tilespmem:$0x1FD60];
	v9 =	vadd.f32 $2.000000000e+00, v9;
	v7 =	vadd.f32 $2.000000000e+00, v7;
	v2 =	vmul.f32 v21, v2  }
0x17d: {  	v62 =	vld [tilespmem:$0x1FE30];
	v8 =	vmul.f32 v8, v43;
	v1 =	vadd.f32 $2.000000000e+00, v1;
	v3 =	vadd.f32 $2.000000000e+00, v3  }
0x17e: {  	v61 =	vld [tilespmem:$0x1FD70];
	v40 =	vmul.f32 $-5.000000000e-01, v55;
	v43 =	vmul.f32 $-5.000000000e-01, v48;
	v2 =	vadd.f32 $2.000000000e+00, v2  }
0x17f: {  	v45 =	vld [tilespmem:$0x1FD90];
	v6 =	vsub.f32 $0.0e+00, v6;
	v5 =	vsub.f32 $0.0e+00, v5;
	v3 =	vmul.f32 v3, v49  }
0x180: {  	v0 =	vsub.f32 $0.0e+00, v0;
	v2 =	vmul.f32 v2, v42;
	v42 =	vmul.f32 $-5.000000000e-01, v50;
	v50 =	vld [tilespmem:$0x1FF50]  }
0x181: {  	v55 =	vld [tilespmem:$0x1FE60];
	v11 =	vsub.f32 $0.0e+00, v11;
	v1 =	vmul.f32 v1, v26;
	v14 =	vsub.f32 $0.0e+00, v14  }
0x182: {  	v10 =	vmul.f32 v10, v46;
	v0 =	vsub.f32 v56, v0;
	v3 =	vsub.f32 $0.0e+00, v3;
	v56 =	vld [tilespmem:$0x1FE80]  }
0x183: {  	v35 =	vld [tilespmem:$0x1FF40];
	v12 =	vmul.f32 v23, v39;
	v8 =	vsub.f32 $0.0e+00, v8;
	v1 =	vsub.f32 $0.0e+00, v1  }
0x184: {  	v36 =	vld [tilespmem:$0x1FF90];
	v9 =	vmul.f32 v9, v28;
	v10 =	vsub.f32 $0.0e+00, v10;
	v3 =	vsub.f32 v43, v3  }
0x185: {  	v38 =	vld [tilespmem:$0x1FFB0];
	v1 =	vsub.f32 v42, v1;
	v2 =	vsub.f32 $0.0e+00, v2;
	v16 =	vmul.f32 $-5.000000000e-01, v50  }
0x186: {  	v53 =	vld [tilespmem:$0x1FE40];
	v39 =	vmul.f32 $-5.000000000e-01, v54;
	v9 =	vsub.f32 $0.0e+00, v9;
	v8 =	vsub.f32 v52, v8  }
0x187: {  	v49 =	vld [tilespmem:$0x1FE00];
	v3 =	vmul.f32 v3, v56;
	v1 =	vmul.f32 v1, v55;
	v2 =	vsub.f32 v16, v2  }
0x188: {  	v10 =	vsub.f32 v57, v10;
	v9 =	vsub.f32 v39, v9;
	v57 =	vld [tilespmem:$0x1FD40];
	v8 =	vmul.f32 v8, v62  }
0x189: {  	v46 =	vld [tilespmem:$0x1FDC0];
	v3 =	vadd.f32 v3, v61;
	v1 =	vadd.f32 v1, v60;
	v2 =	vmul.f32 v2, v59  }
0x18a: {  	v7 =	vmul.f32 v7, v44;
	v13 =	vsub.f32 $0.0e+00, v13;
	v54 =	vld [tilespmem:$0x1FE50];
	v14 =	vsub.f32 v38, v14  }
0x18b: {  	v9 =	vmul.f32 v9, v53;
	v1 =	vadd.f32 v2, v1;
	v2 =	vadd.f32 v8, v3;
	v3 =	vld [tilespmem:$0x1FDF0]  }
0x18c: {  	v48 =	vld [tilespmem:$0x1FDD0];
	v6 =	vsub.f32 v37, v6;
	v7 =	vsub.f32 $0.0e+00, v7;
	v15 =	vmul.f32 v34, v35  }
0x18d: {  	v13 =	vsub.f32 v51, v13;
	v51 =	vld [tilespmem:$0x1FE10];
	v14 =	vmul.f32 v14, v49;
	v9 =	vadd.f32 v9, v57  }
0x18e: {  	v37 =	vld [tilespmem:$0x1FFA0];
	v7 =	vsub.f32 v41, v7;
	v15 =	vsub.f32 $0.0e+00, v15  }
0x18f: {  	v63 =	vld [tilespmem:$0x1FDE0];
	v12 =	vsub.f32 $0.0e+00, v12;
	v10 =	vmul.f32 v10, v46;
	v9 =	vadd.f32 v14, v9  }
0x190: {  	v44 =	vld [tilespmem:$0x1FD80];
	v7 =	vmul.f32 v7, v54;
	v15 =	vsub.f32 v40, v15;
	v3 =	vmul.f32 v13, v3  }
0x191: {  	v11 =	vsub.f32 v36, v11;
	v8 =	vadd.f32 v10, v9;
	v9 =	vld [tilespmem:$0x1FDA0]  }
0x192: {  	v7 =	vadd.f32 v7, v58;
	v15 =	vmul.f32 v15, v51;
	v2 =	vadd.f32 v3, v2;
	v3 =	vld [tilespmem:$0x1FDB0]  }
0x193: {  	s21 =	sadd.s32 $0x1, s21;
	v4 =	vsub.f32 $0.0e+00, v4;
	v12 =	vsub.f32 v37, v12  }
0x194: {  	p0 =	sne.s32 s21, $0x4;
	v5 =	vsub.f32 v31, v5;
	v11 =	vmul.f32 v11, v48;
	v7 =	vadd.f32 v15, v7  }
.Ltmp1:
0x195: {  	v26 =	vld [tilespmem:$0x1FF80];
	v4 =	vsub.f32 v33, v4;
	v12 =	vmul.f32 v12, v63;
	(pc) =	sbr.rel @p0 .LBB2_2-.Ltmp1, $4  }
0x196: {  	v5 =	vmul.f32 v5, v45;
	v41 =	vld [tilespmem:$0x1FFF0];
	v6 =	vmul.f32 v6, v44;
	v7 =	vadd.f32 v11, v7  }
0x197: {  	v48 =	vld [tilespmem:$0x1FFD0];
	v1 =	vadd.f32 v12, v1;
	v4 =	vmul.f32 v4, v9;
	v0 =	vmul.f32 v0, v3  }
0x198: {  	v42 =	vld [tilespmem:$0x1FFC0];
	v5 =	vadd.f32 v5, v7;
	v6 =	vadd.f32 v6, v8  }
0x199: {  	s20 =	sadd.s32 $0x800, s20;
	v11 =	vld [tilespmem:$0x1FFE0];
	v3 =	vadd.f32 v4, v1;
	v1 =	vadd.f32 v0, v2  }
0x19a: {  	_ = 	snop  }
0x19b: {  	v0 =	vadd.f32 v5, v6;
	v1 =	vadd.f32 v1, v3;
	_ =	sdelay $0x1  }
0x19c: {  	s19 =	sadd.s32 $0x1, s19;
	v0 =	vadd.f32 v1, v0  }
0x19d: {  	[tilespmem:$0x18900] =	vst v26;
	p0 =	sne.s32 s19, s11  }
.Ltmp2:
0x19e: {  	[tilespmem:$0x18980] =	vst v0;
	(pc) =	sbr.rel @p0 .LBB2_1-.Ltmp2, $4  }
0x19f: {  	[hbm4b:s10+s3] =	stream.linear.scatter [tilespmem:s18], [sflag:$0x1], $0x100, $0x38;
	[tilespmem:$0x18A00] =	vst v63  }
0x1a0: {  	_ =	swait.ge [sflag:s14], $0x100  }
0x1a1: {  	[sflag:s14] =	ssyncset.done $0x0  }
0x1a2: {  	[sflag:s14] =	ssyncadd.s32 $0xFFFFFF00  }
0x1a3: {  	_ =	sfence.sel $0x180000  }
0x1a4: {  	[bflag:$0x0] =	sbarrier.arrive $0xFFFF  }
0x1a5: {  	p0 =	sne.s32 s4, $0x0;
	_ =	strace $0x90000047  }
0x1a6: {  	s0 =	sadd.s32 @!p0 $0x100000, s0;
	[bflag:$0x2] =	sbarrier.arrive $0xFFFF  }
0x1a7: {  	[sflag:s0] =	ssyncadd.tile.s32 @!p0 $0x1;
	_ =	shalt  }
.Lfunc_end2:
_tile_overlayer_lowered:
.L_overlay_start_2:
0x1a8: {  	(tag) =	ssettag $0x2  }
0x1a9: {  	s0 =	rddreg [dreg:$0x0];
	s2 =	stileid.u32  }
0x1aa: {  	s1 =	rddreg [dreg:$0x1];
	p0 =	sne.s32 s2, $0x0  }
0x1ab: {  	s3 =	rddreg [dreg:$0x2];
	[bflag:$0x3] =	sbarrier.arrive $0xFFFF;
	s2 =	simm.s32 @!p0 $0x1C01  }
0x1ac: {  	[timem:s3], [sflag:s2] =	dma.local @!p0 [hbm:s0], s1  }
0x1ad: {  	s0 =	simm.s32 @!p0 $0x1  }
0x1ae: {  	_ =	swait.ge @!p0 [sflag:s0], s1  }
0x1af: {  	s1 =	ssub.s32 @!p0 $0x0, s1;
	[sflag:s0] =	ssyncset.done @!p0 $0x0  }
0x1b0: {  	[sflag:s0] =	ssyncadd.s32 @!p0 s1  }
0x1b1: {  	[bflag:$0x3] =	sbarrier.arrive $0xFFFF  }
0x1b2: {  	_ =	shalt  }

</sc_bundles>
